<compile_context>
chip_gen: v7x
topology: tpu7x:2x2x1
jax: 0.10.2.dev20260603
libtpu: 0.0.44.dev20260713+nightly
codegen_flags: <defaults>
</compile_context>

<pallas_src>
import functools

import jax
import jax.numpy as jnp
from jax import lax
from jax.experimental import pallas as pl


N = 100000
LATENT = 128
BLK = 2000


def _mlp_body(f_ref, c_ref, w1_ref, w2_ref, w3_ref, b3_ref,
              off_ref, nc_ref, mn_ref, mx_ref):
    f = f_ref[...]
    h = jnp.maximum(jnp.dot(f, w1_ref[...], preferred_element_type=jnp.float32), 0.0)
    h = jnp.maximum(jnp.dot(h, w2_ref[...], preferred_element_type=jnp.float32), 0.0)
    offs4 = jnp.dot(h, w3_ref[...], preferred_element_type=jnp.float32) + b3_ref[...]
    off_ref[...] = offs4
    oi = (jnp.sign(offs4) * (jnp.exp(jnp.abs(offs4)) - 1.0)).astype(jnp.int32)
    nc = c_ref[...] + oi
    nc_ref[...] = nc
    bmn = jnp.min(nc, axis=0, keepdims=True)
    bmx = jnp.max(nc, axis=0, keepdims=True)
    @pl.when(pl.program_id(0) == 0)
    def _():
        mn_ref[...] = bmn
        mx_ref[...] = bmx
    @pl.when(pl.program_id(0) != 0)
    def _():
        mn_ref[...] = jnp.minimum(mn_ref[...], bmn)
        mx_ref[...] = jnp.maximum(mx_ref[...], bmx)


def _mlp(feats_F, feats_C, W1, W2, W3, b3):
    w3p = jnp.concatenate([jnp.zeros((W3.shape[0], 1), W3.dtype), W3], axis=1)
    b3p = jnp.concatenate([jnp.zeros((1,), b3.dtype), b3])[None, :]
    grid = (N // BLK,)
    offs4, ncoords, mn, mx = pl.pallas_call(
        _mlp_body,
        grid=grid,
        in_specs=[
            pl.BlockSpec((BLK, LATENT), lambda i: (i, 0)),
            pl.BlockSpec((BLK, 4), lambda i: (i, 0)),
            pl.BlockSpec((LATENT, LATENT // 2), lambda i: (0, 0)),
            pl.BlockSpec((LATENT // 2, LATENT // 4), lambda i: (0, 0)),
            pl.BlockSpec((LATENT // 4, 4), lambda i: (0, 0)),
            pl.BlockSpec((1, 4), lambda i: (0, 0)),
        ],
        out_specs=[
            pl.BlockSpec((BLK, 4), lambda i: (i, 0)),
            pl.BlockSpec((BLK, 4), lambda i: (i, 0)),
            pl.BlockSpec((1, 4), lambda i: (0, 0)),
            pl.BlockSpec((1, 4), lambda i: (0, 0)),
        ],
        out_shape=[
            jax.ShapeDtypeStruct((N, 4), jnp.float32),
            jax.ShapeDtypeStruct((N, 4), jnp.int32),
            jax.ShapeDtypeStruct((1, 4), jnp.int32),
            jax.ShapeDtypeStruct((1, 4), jnp.int32),
        ],
    )(feats_F, feats_C, W1, W2, w3p, b3p)
    return offs4[:, 1:], ncoords, mn[0], mx[0]


def kernel(feats_F, feats_C, W1, W2, W3, b3):
    offsets, new_coords, mn, mx = _mlp(feats_F, feats_C, W1, W2, W3, b3)
    rng = (mx - mn).astype(jnp.uint32)
    bits = jnp.sum((rng[:, None] >> jnp.arange(32, dtype=jnp.uint32)[None, :]) > 0,
                   axis=1).astype(jnp.int32)
    s3 = jnp.int32(0)
    s2 = bits[3]
    s1 = bits[2] + bits[3]
    s0 = bits[1] + bits[2] + bits[3]
    nrm = (new_coords - mn[None, :]).astype(jnp.uint32)
    key = ((nrm[:, 0] << s0) | (nrm[:, 1] << s1) | (nrm[:, 2] << s2)
           | (nrm[:, 3] << s3)) ^ jnp.uint32(0x80000000)
    key = key.astype(jnp.int32)
    iota = jnp.arange(N, dtype=jnp.int32)
    key_s, perm = lax.sort([key, iota], num_keys=1)
    prev = jnp.concatenate([jnp.full((1,), -0x80000000, jnp.int32), key_s[:-1]])
    flags = (key_s != prev).astype(jnp.int32)
    flags = flags.at[0].set(1)
    seg = jnp.cumsum(flags) - 1
    K = seg[-1] + 1
    inverse = jnp.zeros((N,), jnp.int32).at[perm].set(seg)
    counts = jnp.zeros((N,), jnp.int32).at[seg].add(1)
    kk = jnp.zeros((N,), jnp.int32).at[seg].set(key_s)
    ku = kk.astype(jnp.uint32) ^ jnp.uint32(0x80000000)
    valid = (iota < K)[:, None]
    m3 = (jnp.uint32(1) << s2) - 1
    m2 = (jnp.uint32(1) << bits[2]) - 1
    m1 = (jnp.uint32(1) << bits[1]) - 1
    c0 = (ku >> s0).astype(jnp.int32) + mn[0]
    c1 = ((ku >> s1) & m1).astype(jnp.int32) + mn[1]
    c2 = ((ku >> s2) & m2).astype(jnp.int32) + mn[2]
    c3 = (ku & m3).astype(jnp.int32) + mn[3]
    out_coords = jnp.where(valid, jnp.stack([c0, c1, c2, c3], axis=1), 0)
    cpp = counts[inverse][:, None].astype(feats_F.dtype)
    out_feats = jax.ops.segment_sum(feats_F / cpp, inverse, num_segments=N)
    out_scores = jnp.log1p(counts.astype(feats_F.dtype))[:, None]
    return (offsets, out_coords, out_feats, out_scores, inverse.astype(jnp.int64))

# --- scband reference (transcript-rebuilt; emitter-appended) ---
"""Pipeline reference for scband-offset-head-32813550141773 (READ-ONLY COPY).

The authoritative reference and input builder live on the scoring server;
editing this copy changes nothing except your own understanding.
"""

import jax, jax.numpy as jnp
import numpy as np

N = 100000
LATENT = 128

def setup_inputs(seed: int = 0) -> dict:
    key = jax.random.key(seed)
    k1, k2, k3, k4, k5, k6 = jax.random.split(key, 6)
    feats_F = jax.random.normal(k1, (N, LATENT), dtype=jnp.float32)
    feats_C = jax.random.randint(k2, (N, 4), 0, 128, dtype=jnp.int32)
    # Sparse conv tower approximated as pointwise (1x1) convs: latent -> latent//2 -> latent//4 -> 3
    W1 = jax.random.normal(k3, (LATENT, LATENT // 2), dtype=jnp.float32) * 0.05
    W2 = jax.random.normal(k4, (LATENT // 2, LATENT // 4), dtype=jnp.float32) * 0.05
    W3 = jax.random.normal(k5, (LATENT // 4, 3), dtype=jnp.float32) * 0.05
    b3 = jax.random.normal(k6, (3,), dtype=jnp.float32) * 0.05
    return {"feats_F": feats_F, "feats_C": feats_C, "W1": W1, "W2": W2, "W3": W3, "b3": b3}

def reference(feats_F, feats_C, W1, W2, W3, b3):
    n = feats_F.shape[0]
    # OffsetHead conv tower (SparseConvBlock ~ conv + ReLU, pointwise approximation)
    h = jax.nn.relu(feats_F @ W1)
    h = jax.nn.relu(h @ W2)
    offsets = h @ W3 + b3  # [N, 3]
    # _revoxelize
    off_int = (jnp.sign(offsets) * jnp.expm1(jnp.abs(offsets))).astype(jnp.int32)
    offsets_full = jnp.concatenate([jnp.zeros((n, 1), dtype=jnp.int32), off_int], axis=1)
    new_coords = feats_C + offsets_full  # [N, 4]
    # sphash + unique + sphashquery == unique rows with inverse map
    out_coords, inverse = jnp.unique(new_coords, axis=0, return_inverse=True, size=n, fill_value=0)
    inverse = inverse.ravel()
    K = out_coords.shape[0]
    counts = jnp.bincount(inverse, length=K)  # spcount
    cpp = counts[inverse][:, None].astype(feats_F.dtype)  # counts.index_select(0, idx).unsqueeze(1)
    # scatter_sum(voxel_feats.F / counts, idx_query_long)
    out_feats = jax.ops.segment_sum(feats_F / cpp, inverse, num_segments=K)
    out_scores = jnp.log1p(counts.astype(feats_F.dtype))[:, None]
    return (offsets, out_coords, out_feats, out_scores, inverse.astype(jnp.int64))

if __name__ == "__main__":
    import jax
    _d = setup_inputs()
    print(jax.jit(kernel)(*tuple(_d.values())))

</pallas_src>

<mosaic_0001>
module attributes {stable_mosaic.version = 14 : i64} {
  func.func @_mlp_body(%arg0: i32, %arg1: memref<2000x128xf32, #tpu.memory_space<vmem>>, %arg2: memref<2000x4xi32, #tpu.memory_space<vmem>>, %arg3: memref<128x64xf32, #tpu.memory_space<vmem>>, %arg4: memref<64x32xf32, #tpu.memory_space<vmem>>, %arg5: memref<32x4xf32, #tpu.memory_space<vmem>>, %arg6: memref<1x4xf32, #tpu.memory_space<vmem>>, %arg7: memref<2000x4xf32, #tpu.memory_space<vmem>>, %arg8: memref<2000x4xi32, #tpu.memory_space<vmem>>, %arg9: memref<1x4xi32, #tpu.memory_space<vmem>>, %arg10: memref<1x4xi32, #tpu.memory_space<vmem>>) attributes {dimension_semantics = [#tpu.dimension_semantics<arbitrary>], iteration_bounds = array<i64: 50>, scalar_prefetch = 0 : i64, scratch_operands = 0 : i64, tpu.core_type = #tpu.core_type<tc>, window_params = [{transform_indices = @transform_0, window_bounds = array<i64: 2000, 128>}, {transform_indices = @transform_1, window_bounds = array<i64: 2000, 4>}, {pipeline_mode = #tpu.pipeline_mode<synchronous>, transform_indices = @transform_2, window_bounds = array<i64: 128, 64>}, {pipeline_mode = #tpu.pipeline_mode<synchronous>, transform_indices = @transform_3, window_bounds = array<i64: 64, 32>}, {pipeline_mode = #tpu.pipeline_mode<synchronous>, transform_indices = @transform_4, window_bounds = array<i64: 32, 4>}, {pipeline_mode = #tpu.pipeline_mode<synchronous>, transform_indices = @transform_5, window_bounds = array<i64: 1, 4>}, {transform_indices = @transform_6, window_bounds = array<i64: 2000, 4>}, {transform_indices = @transform_7, window_bounds = array<i64: 2000, 4>}, {pipeline_mode = #tpu.pipeline_mode<synchronous>, transform_indices = @transform_8, window_bounds = array<i64: 1, 4>}, {pipeline_mode = #tpu.pipeline_mode<synchronous>, transform_indices = @transform_9, window_bounds = array<i64: 1, 4>}]} {
    %get3A = arith.constant 0 : index
    %get3A_0 = arith.constant 0 : index
    %get3A_1 = vector.load %arg1[%get3A, %get3A_0] : memref<2000x128xf32, #tpu.memory_space<vmem>>, vector<2000x128xf32>
    %get3A_2 = arith.constant 0 : index
    %get3A_3 = arith.constant 0 : index
    %get3A_4 = vector.load %arg3[%get3A_2, %get3A_3] : memref<128x64xf32, #tpu.memory_space<vmem>>, vector<128x64xf32>
    %dot_general3A = arith.constant dense<0.000000e+00> : vector<2000x64xf32>
    %dot_general3A_5 = tpu.matmul %get3A_1, %get3A_4, %dot_general3A {dimension_numbers = #tpu.dot_dimension_numbers<[1], [0], [0], [1], [0, 0, 1, 1], [], []>, transpose_lhs_hint = false} : vector<2000x128xf32>, vector<128x64xf32>, vector<2000x64xf32> -> vector<2000x64xf32>
    %max3A = arith.constant 0.000000e+00 : f32
    %max3A_6 = vector.broadcast %max3A : f32 to vector<2000x64xf32>
    %max3A_7 = arith.maximumf %dot_general3A_5, %max3A_6 : vector<2000x64xf32>
    %get3A_8 = arith.constant 0 : index
    %get3A_9 = arith.constant 0 : index
    %get3A_10 = vector.load %arg4[%get3A_8, %get3A_9] : memref<64x32xf32, #tpu.memory_space<vmem>>, vector<64x32xf32>
    %dot_general3A_11 = arith.constant dense<0.000000e+00> : vector<2000x32xf32>
    %dot_general3A_12 = tpu.matmul %max3A_7, %get3A_10, %dot_general3A_11 {dimension_numbers = #tpu.dot_dimension_numbers<[1], [0], [0], [1], [0, 0, 1, 1], [], []>, transpose_lhs_hint = false} : vector<2000x64xf32>, vector<64x32xf32>, vector<2000x32xf32> -> vector<2000x32xf32>
    %max3A_13 = arith.constant 0.000000e+00 : f32
    %max3A_14 = vector.broadcast %max3A_13 : f32 to vector<2000x32xf32>
    %max3A_15 = arith.maximumf %dot_general3A_12, %max3A_14 : vector<2000x32xf32>
    %get3A_16 = arith.constant 0 : index
    %get3A_17 = arith.constant 0 : index
    %get3A_18 = vector.load %arg5[%get3A_16, %get3A_17] : memref<32x4xf32, #tpu.memory_space<vmem>>, vector<32x4xf32>
    %dot_general3A_19 = arith.constant dense<0.000000e+00> : vector<2000x4xf32>
    %dot_general3A_20 = tpu.matmul %max3A_15, %get3A_18, %dot_general3A_19 {dimension_numbers = #tpu.dot_dimension_numbers<[1], [0], [0], [1], [0, 0, 1, 1], [], []>, transpose_lhs_hint = false} : vector<2000x32xf32>, vector<32x4xf32>, vector<2000x4xf32> -> vector<2000x4xf32>
    %get3A_21 = arith.constant 0 : index
    %get3A_22 = arith.constant 0 : index
    %get3A_23 = vector.load %arg6[%get3A_21, %get3A_22] : memref<1x4xf32, #tpu.memory_space<vmem>>, vector<1x4xf32>
    %add3A = vector.broadcast %get3A_23 : vector<1x4xf32> to vector<2000x4xf32>
    %add3A_24 = arith.addf %dot_general3A_20, %add3A : vector<2000x4xf32>
    %swap3A = arith.constant 0 : index
    %swap3A_25 = arith.constant 0 : index
    %swap3A_26 = vector.load %arg7[%swap3A, %swap3A_25] : memref<2000x4xf32, #tpu.memory_space<vmem>>, vector<2000x4xf32>
    tpu.vector_store %arg7[%swap3A, %swap3A_25], %add3A_24 {strides = array<i32>} : memref<2000x4xf32, #tpu.memory_space<vmem>>, vector<2000x4xf32>,
    %sign3A = tpu.bitcast %add3A_24 : vector<2000x4xf32> -> vector<2000x4xi32>
    %sign3A_27 = arith.constant -2147483648 : i32
    %sign3A_28 = vector.broadcast %sign3A_27 : i32 to vector<2000x4xi32>
    %sign3A_29 = arith.andi %sign3A, %sign3A_28 : vector<2000x4xi32>
    %sign3A_30 = arith.constant 1065353216 : i32
    %sign3A_31 = vector.broadcast %sign3A_30 : i32 to vector<2000x4xi32>
    %sign3A_32 = arith.ori %sign3A_31, %sign3A_29 : vector<2000x4xi32>
    %sign3A_33 = tpu.bitcast %sign3A_32 : vector<2000x4xi32> -> vector<2000x4xf32>
    %sign3A_34 = math.absf %add3A_24 : vector<2000x4xf32>
    %sign3A_35 = arith.constant 0.000000e+00 : f32
    %sign3A_36 = vector.broadcast %sign3A_35 : f32 to vector<2000x4xf32>
    %sign3A_37 = arith.cmpf ogt, %sign3A_34, %sign3A_36 : vector<2000x4xf32>
    %sign3A_38 = arith.select %sign3A_37, %sign3A_33, %add3A_24 : vector<2000x4xi1>, vector<2000x4xf32>
    %abs3A = math.absf %add3A_24 : vector<2000x4xf32>
    %exp3A = math.exp %abs3A : vector<2000x4xf32>
    %sub3A = arith.constant 1.000000e+00 : f32
    %sub3A_39 = vector.broadcast %sub3A : f32 to vector<2000x4xf32>
    %sub3A_40 = arith.subf %exp3A, %sub3A_39 : vector<2000x4xf32>
    %mul3A = arith.mulf %sign3A_38, %sub3A_40 : vector<2000x4xf32>
    %convert_element_type3A = arith.fptosi %mul3A : vector<2000x4xf32> to vector<2000x4xi32>
    %get3A_41 = arith.constant 0 : index
    %get3A_42 = arith.constant 0 : index
    %get3A_43 = vector.load %arg2[%get3A_41, %get3A_42] : memref<2000x4xi32, #tpu.memory_space<vmem>>, vector<2000x4xi32>
    %add3A_44 = arith.addi %get3A_43, %convert_element_type3A : vector<2000x4xi32>
    %swap3A_45 = arith.constant 0 : index
    %swap3A_46 = arith.constant 0 : index
    %swap3A_47 = vector.load %arg8[%swap3A_45, %swap3A_46] : memref<2000x4xi32, #tpu.memory_space<vmem>>, vector<2000x4xi32>
    tpu.vector_store %arg8[%swap3A_45, %swap3A_46], %add3A_44 {strides = array<i32>} : memref<2000x4xi32, #tpu.memory_space<vmem>>, vector<2000x4xi32>,
    %reduce_min3A = arith.constant dense<2147483647> : vector<4xi32>
    %reduce_min3A_48 = vector.multi_reduction <minsi>, %add3A_44, %reduce_min3A [0] : vector<2000x4xi32> to vector<4xi32>
    %broadcast_in_dim3A = vector.shape_cast %reduce_min3A_48 : vector<4xi32> to vector<1x4xi32>
    %reduce_max3A = arith.constant dense<-2147483648> : vector<4xi32>
    %reduce_max3A_49 = vector.multi_reduction <maxsi>, %add3A_44, %reduce_max3A [0] : vector<2000x4xi32> to vector<4xi32>
    %broadcast_in_dim3A_50 = vector.shape_cast %reduce_max3A_49 : vector<4xi32> to vector<1x4xi32>
    %eq3A = arith.constant 0 : i32
    %eq3A_51 = arith.cmpi eq, %arg0, %eq3A : i32
    %convert_element_type3A_52 = arith.extui %eq3A_51 : i1 to i32
    %cond3A = arith.constant 0 : i32
    %cond3A_53 = arith.cmpi ne, %convert_element_type3A_52, %cond3A : i32
    scf.if %cond3A_53 {
      %swap3A_58 = arith.constant 0 : index
      %swap3A_59 = arith.constant 0 : index
      %swap3A_60 = vector.load %arg9[%swap3A_58, %swap3A_59] : memref<1x4xi32, #tpu.memory_space<vmem>>, vector<1x4xi32>
      tpu.vector_store %arg9[%swap3A_58, %swap3A_59], %broadcast_in_dim3A {strides = array<i32>} : memref<1x4xi32, #tpu.memory_space<vmem>>, vector<1x4xi32>,
      %swap3A_61 = arith.constant 0 : index
      %swap3A_62 = arith.constant 0 : index
      %swap3A_63 = vector.load %arg10[%swap3A_61, %swap3A_62] : memref<1x4xi32, #tpu.memory_space<vmem>>, vector<1x4xi32>
      tpu.vector_store %arg10[%swap3A_61, %swap3A_62], %broadcast_in_dim3A_50 {strides = array<i32>} : memref<1x4xi32, #tpu.memory_space<vmem>>, vector<1x4xi32>,
    } else {
    }
    %ne3A = arith.constant 0 : i32
    %ne3A_54 = arith.cmpi ne, %arg0, %ne3A : i32
    %convert_element_type3A_55 = arith.extui %ne3A_54 : i1 to i32
    %cond3A_56 = arith.constant 0 : i32
    %cond3A_57 = arith.cmpi ne, %convert_element_type3A_55, %cond3A_56 : i32
    scf.if %cond3A_57 {
      %get3A_58 = arith.constant 0 : index
      %get3A_59 = arith.constant 0 : index
      %get3A_60 = vector.load %arg9[%get3A_58, %get3A_59] : memref<1x4xi32, #tpu.memory_space<vmem>>, vector<1x4xi32>
      %min3A = arith.minsi %get3A_60, %broadcast_in_dim3A : vector<1x4xi32>
      %swap3A_61 = arith.constant 0 : index
      %swap3A_62 = arith.constant 0 : index
      %swap3A_63 = vector.load %arg9[%swap3A_61, %swap3A_62] : memref<1x4xi32, #tpu.memory_space<vmem>>, vector<1x4xi32>
      tpu.vector_store %arg9[%swap3A_61, %swap3A_62], %min3A {strides = array<i32>} : memref<1x4xi32, #tpu.memory_space<vmem>>, vector<1x4xi32>,
      %get3A_64 = arith.constant 0 : index
      %get3A_65 = arith.constant 0 : index
      %get3A_66 = vector.load %arg10[%get3A_64, %get3A_65] : memref<1x4xi32, #tpu.memory_space<vmem>>, vector<1x4xi32>
      %max3A_67 = arith.maxsi %get3A_66, %broadcast_in_dim3A_50 : vector<1x4xi32>
      %swap3A_68 = arith.constant 0 : index
      %swap3A_69 = arith.constant 0 : index
      %swap3A_70 = vector.load %arg10[%swap3A_68, %swap3A_69] : memref<1x4xi32, #tpu.memory_space<vmem>>, vector<1x4xi32>
      tpu.vector_store %arg10[%swap3A_68, %swap3A_69], %max3A_67 {strides = array<i32>} : memref<1x4xi32, #tpu.memory_space<vmem>>, vector<1x4xi32>,
    } else {
    }
    return
  }
  func.func @transform_0(%arg0: i32) -> (i32, i32) {
    %c0_i32 = arith.constant 0 : i32
    %c0_i32_0 = arith.constant 0 : i32
    return %arg0, %c0_i32 : i32, i32
  }
  func.func @transform_1(%arg0: i32) -> (i32, i32) {
    %c0_i32 = arith.constant 0 : i32
    %c0_i32_0 = arith.constant 0 : i32
    return %arg0, %c0_i32 : i32, i32
  }
  func.func @transform_2(%arg0: i32) -> (i32, i32) {
    %c0_i32 = arith.constant 0 : i32
    %c0_i32_0 = arith.constant 0 : i32
    %c0_i32_1 = arith.constant 0 : i32
    return %c0_i32, %c0_i32_0 : i32, i32
  }
  func.func @transform_3(%arg0: i32) -> (i32, i32) {
    %c0_i32 = arith.constant 0 : i32
    %c0_i32_0 = arith.constant 0 : i32
    %c0_i32_1 = arith.constant 0 : i32
    return %c0_i32, %c0_i32_0 : i32, i32
  }
  func.func @transform_4(%arg0: i32) -> (i32, i32) {
    %c0_i32 = arith.constant 0 : i32
    %c0_i32_0 = arith.constant 0 : i32
    %c0_i32_1 = arith.constant 0 : i32
    return %c0_i32, %c0_i32_0 : i32, i32
  }
  func.func @transform_5(%arg0: i32) -> (i32, i32) {
    %c0_i32 = arith.constant 0 : i32
    %c0_i32_0 = arith.constant 0 : i32
    %c0_i32_1 = arith.constant 0 : i32
    return %c0_i32, %c0_i32_0 : i32, i32
  }
  func.func @transform_6(%arg0: i32) -> (i32, i32) {
    %c0_i32 = arith.constant 0 : i32
    %c0_i32_0 = arith.constant 0 : i32
    return %arg0, %c0_i32 : i32, i32
  }
  func.func @transform_7(%arg0: i32) -> (i32, i32) {
    %c0_i32 = arith.constant 0 : i32
    %c0_i32_0 = arith.constant 0 : i32
    return %arg0, %c0_i32 : i32, i32
  }
  func.func @transform_8(%arg0: i32) -> (i32, i32) {
    %c0_i32 = arith.constant 0 : i32
    %c0_i32_0 = arith.constant 0 : i32
    %c0_i32_1 = arith.constant 0 : i32
    return %c0_i32, %c0_i32_0 : i32, i32
  }
  func.func @transform_9(%arg0: i32) -> (i32, i32) {
    %c0_i32 = arith.constant 0 : i32
    %c0_i32_0 = arith.constant 0 : i32
    %c0_i32_1 = arith.constant 0 : i32
    return %c0_i32, %c0_i32_0 : i32, i32
  }
}

</mosaic_0001>

<sc_bundles>
// kernel: gather_offload_async_start
scs
__scs_entry_jumppad:
0x0: {  	(pc) =	sbr.rel $0x88, $3  }
0x1: {  	(tag) =	ssettag $0x0;
	lr =	simm.s32 $0x1  }
0x2: {  	[smem:$0x3F9B] =	sst lr;
	_ =	strace $0xD0000000  }
0x3: {  	_ = 	snop  }
0x4: {  	_ = 	snop  }
0x5: {  	_ = 	snop  }
0x6: {  	_ = 	snop  }
0x7: {  	_ = 	snop  }
__scs_overlays_trampoline_lowered:
0x8: {  	[smem:$0x3FAA] =	sst s0  }
0x9: {  	[smem:$0x3FAB] =	sst s1  }
0xa: {  	[smem:$0x3FAC] =	sst s2  }
0xb: {  	[smem:$0x3FAD] =	sst s3  }
0xc: {  	[smem:$0x3FAE] =	sst s4  }
0xd: {  	[smem:$0x3FAF] =	sst s5  }
0xe: {  	[smem:$0x3FB0] =	sst s6  }
0xf: {  	[smem:$0x3FB1] =	sst s7  }
0x10: {  	[smem:$0x3FB2] =	sst s8  }
0x11: {  	[smem:$0x3FB3] =	sst s9;
	s0 =	simm.s32 @!p0 $0x0  }
0x12: {  	s1 =	sld [smem:$0x3F99];
	s0 =	simm.s32 @p0 $0x1  }
0x13: {  	[smem:$0x3FB4] =	sst s0;
	s0 =	simm.s32 @!p1 $0x0  }
0x14: {  	s2 =	sld [smem:$0x3F98];
	s0 =	simm.s32 @p1 $0x1  }
0x15: {  	[smem:$0x3FB5] =	sst s0;
	s0 =	simm.s32 @!p2 $0x0  }
0x16: {  	s3 =	sld [smem:$0x3FDB];
	s0 =	simm.s32 @p2 $0x1  }
0x17: {  	s4 =	simm.s32 $0x1BF5;
	[smem:$0x3FB7] =	sst s0  }
0x18: {  	s0 =	sld [smem:$0x3F9A];
	_ =	swait.ge [sflag:s4], $0x0  }
0x19: {  	s7 =	sld [smem:$0x3F9B]  }
0x1a: {  	s8 =	sadd.s32 $0xFFFFE003, lr  }
0x1b: {  	s9 =	sadd.s32 $0xFFFFFEF7, lr;
	s5 =	simm.s32 $0xFFFFFFFF;
	p2 =	slt.u32 s8, $0xFFFFF086  }
0x1c: {  	p1 =	slt.u32 s9, $0xF7A;
	s5 =	simm.s32 @!p2 $0x0  }
0x1d: {  	s5 =	simm.s32 @p1 $0x1;
	p0 =	seq.s32 s7, s2  }
0x1e: {  	s7 =	smul.u32 @!p0 $0xF7A, s2;
	p2 =	seq.s32 @!p0 s5, $0x0  }
0x1f: {  	s9 =	smul.u32 $0xF7A, s1;
	s8 =	simm.s32 @!p0 $0x1BF5;
	p2 =	por !p2, p0  }
0x20: {  	[sflag:s8] =	ssyncset.s32 @!p0 $0xFFFFF086;
	s6 =	sadd.s32 @!p0 s3, s7;
	s7 =	simm.s32 @!p0 $0x108  }
0x21: {  	s3 =	sadd.s32 s3, s9;
	s6 =	sadd.s32 @!p0 $0x88, s6;
	s7 =	simm.s32 @p2 $0x1082  }
0x22: {  	[simem:s7], [sflag:s8] =	dma.local @!p0 [hbm:s6], $0xF7A  }
0x23: {  	s9 =	sor.u32 $0xD0000000, s2;
	s6 =	simm.s32 $0x108;
	_ =	swait.ge @!p0 [sflag:s8], $0x0  }
0x24: {  	s3 =	sadd.s32 $0x88, s3;
	s6 =	simm.s32 @!p1 $0x1082;
	[sflag:s4] =	ssyncset.s32 $0xFFFFF086  }
0x25: {  	[simem:s6], [sflag:s4] =	dma.local [hbm:s3], $0xF7A  }
0x26: {  	[smem:$0x3F9B] =	sst s1;
	(tag) =	ssettag s2;
	_ =	strace s9  }
0x27: {  	s1 =	sld [smem:$0x3FAB]  }
0x28: {  	s2 =	sld [smem:$0x3FAC]  }
0x29: {  	s4 =	sld [smem:$0x3FAE]  }
0x2a: {  	p0 =	seq.s32 s5, $0x0;
	s5 =	sld [smem:$0x3FAF]  }
0x2b: {  	s6 =	sld [smem:$0x3FB0]  }
0x2c: {  	s7 =	sld [smem:$0x3FB1]  }
0x2d: {  	s3 =	simm.s32 $0x108;
	s8 =	sld [smem:$0x3FB2]  }
0x2e: {  	s3 =	simm.s32 @!p0 $0x1082;
	s9 =	sld [smem:$0x3FB3]  }
0x2f: {  	lr =	sadd.s32 s0, s3;
	s0 =	sld [smem:$0x3FAA]  }
0x30: {  	s3 =	sld [smem:$0x3FAD]  }
0x31: {  	[smem:$0x3FB6] =	sst s10  }
0x32: {  	s10 =	sld [smem:$0x3FB4];
	_ =	sdelay $0x3  }
0x33: {  	p0 =	seq.s32 s10, $0x1;
	s10 =	sld [smem:$0x3FB6];
	_ =	sdelay $0x3  }
0x34: {  	[smem:$0x3FB6] =	sst s10  }
0x35: {  	s10 =	sld [smem:$0x3FB5];
	_ =	sdelay $0x3  }
0x36: {  	p1 =	seq.s32 s10, $0x1;
	s10 =	sld [smem:$0x3FB6];
	_ =	sdelay $0x3  }
0x37: {  	[smem:$0x3FB6] =	sst s10  }
0x38: {  	s10 =	sld [smem:$0x3FB7]  }
0x39: {  	_ = 	snop;
	(pc) =	sbr.ind lr, $3  }
0x3a: {  	_ = 	snop  }
0x3b: {  	_ = 	snop  }
0x3c: {  	p2 =	seq.s32 s10, $0x1;
	s10 =	sld [smem:$0x3FB6]  }
0x3d: {  	_ =	shalt  }
0x3e: {  	_ =	shalt  }
0x3f: {  	_ =	shalt  }
0x40: {  	_ =	shalt  }
0x41: {  	_ =	shalt  }
0x42: {  	_ =	shalt  }
0x43: {  	_ =	shalt  }
0x44: {  	_ =	shalt  }
0x45: {  	_ =	shalt  }
0x46: {  	_ =	shalt  }
0x47: {  	_ =	shalt  }
0x48: {  	_ =	shalt  }
0x49: {  	_ =	shalt  }
0x4a: {  	_ =	shalt  }
0x4b: {  	_ =	shalt  }
0x4c: {  	_ =	shalt  }
0x4d: {  	_ =	shalt  }
0x4e: {  	_ =	shalt  }
0x4f: {  	_ =	shalt  }
0x50: {  	_ =	shalt  }
0x51: {  	_ =	shalt  }
0x52: {  	_ =	shalt  }
0x53: {  	_ =	shalt  }
0x54: {  	_ =	shalt  }
0x55: {  	_ =	shalt  }
0x56: {  	_ =	shalt  }
0x57: {  	_ =	shalt  }
0x58: {  	_ =	shalt  }
0x59: {  	_ =	shalt  }
0x5a: {  	_ =	shalt  }
0x5b: {  	_ =	shalt  }
0x5c: {  	_ =	shalt  }
0x5d: {  	_ =	shalt  }
0x5e: {  	_ =	shalt  }
0x5f: {  	_ =	shalt  }
0x60: {  	_ =	shalt  }
0x61: {  	_ =	shalt  }
0x62: {  	_ =	shalt  }
0x63: {  	_ =	shalt  }
0x64: {  	_ =	shalt  }
0x65: {  	_ =	shalt  }
0x66: {  	_ =	shalt  }
0x67: {  	_ =	shalt  }
0x68: {  	_ =	shalt  }
0x69: {  	_ =	shalt  }
0x6a: {  	_ =	shalt  }
0x6b: {  	_ =	shalt  }
0x6c: {  	_ =	shalt  }
0x6d: {  	_ =	shalt  }
0x6e: {  	_ =	shalt  }
0x6f: {  	_ =	shalt  }
0x70: {  	_ =	shalt  }
0x71: {  	_ =	shalt  }
0x72: {  	_ =	shalt  }
0x73: {  	_ =	shalt  }
0x74: {  	_ =	shalt  }
0x75: {  	_ =	shalt  }
0x76: {  	_ =	shalt  }
0x77: {  	_ =	shalt  }
0x78: {  	_ =	shalt  }
0x79: {  	_ =	shalt  }
0x7a: {  	_ =	shalt  }
0x7b: {  	_ =	shalt  }
0x7c: {  	_ =	shalt  }
0x7d: {  	_ =	shalt  }
0x7e: {  	_ =	shalt  }
0x7f: {  	_ =	shalt  }
0x80: {  	_ =	shalt  }
0x81: {  	_ =	shalt  }
0x82: {  	_ =	shalt  }
0x83: {  	_ =	shalt  }
0x84: {  	_ =	shalt  }
0x85: {  	_ =	shalt  }
0x86: {  	_ =	shalt  }
0x87: {  	_ =	shalt  }
.Lfunc_end0:
.L_simem_size_0:
called_computation.2_lowered:
.L_overlay_start_0:
0x88: {  	s2 =	sld [smem:$0x3FD9]  }
0x89: {  	s3 =	sld [smem:$0x3FFE];
	_ =	sdelay $0x1  }
0x8a: {  	s1 =	srdreg.scid  }
0x8b: {  	s0 =	sand.u32 $0x1, s1  }
0x8c: {  	s14 =	sshll.u32 s0, $0xA;
	s2 =	sadd.s32 s3, s2  }
0x8d: {  	s2 =	sadd.s32 s2, s14  }
0x8e: {  	[smem:$0x3FC2] =	sst s2  }
0x8f: {  	_ = 	snop  }
0x90: {  	s2 =	sld [smem:$0x3FD0];
	_ =	sdelay $0x2  }
0x91: {  	s15 =	simm.s32 $0xA;
	s4 =	simm.s32 $0x10  }
0x92: {  	[smem:s4], [sflag:s15] =	dma.local [hbm:s2], $0x1  }
0x93: {  	_ =	swait.eq [sflag:s15], $0x1  }
0x94: {  	[sflag:s15] =	ssyncset.done $0x0  }
0x95: {  	[sflag:s15] =	ssyncadd.s32 $0xFFFFFFFF  }
0x96: {  	s16 =	sld [smem:$0x12];
	(tm) =	ssettm $0x1  }
0x97: {  	s17 =	sld [smem:$0x3FFB];
	_ =	sdelay $0x3  }
0x98: {  	_ =	strace s17  }
0x99: {  	s3 =	sld [smem:$0x3FFC];
	_ =	sdelay $0x3  }
0x9a: {  	_ =	strace s3  }
0x9b: {  	s3 =	sld [smem:$0x3FFD];
	_ =	sdelay $0x3  }
0x9c: {  	_ =	strace s3  }
0x9d: {  	_ =	strace $0x8FFFFFFF  }
0x9e: {  	s18 =	sld [smem:$0x3FDB];
	_ =	sdelay $0x1  }
0x9f: {  	s19 =	simm.s32 $_scs_section_size  }
0xa0: {  	s5 =	simm.s32 $_size__tile_overlayer_lowered;
	s6 =	simm.s32 $_tile_overlayer_lowered  }
0xa1: {  	s22 =	simm.s32 $0x1BFF;
	s21 =	sshll.u32 s6, $0x1;
	s3 =	sadd.s32 s19, s18  }
0xa2: {  	s7 =	simm.s32 $0x0;
	s20 =	sshll.u32 s5, $0x1;
	s5 =	sadd.s32 s21, s3  }
0xa3: {  	[timem:s7], [sflag:s22] =	dma.local [hbm:s5], s20  }
0xa4: {  	_ =	swait.ge [sflag:s22], s20  }
0xa5: {  	s4 =	ssub.s32 $0x0, s20;
	[sflag:s22] =	ssyncset.done $0x0  }
0xa6: {  	[sflag:s22] =	ssyncadd.s32 s4;
	_ =	sdelay $0x1  }
0xa7: {  	s23 =	simm.s32 $0x1B8B  }
0xa8: {  	_ =	swait.ge [sflag:s23], $0x1  }
0xa9: {  	[sflag:s23] =	ssyncset.done $0x0  }
0xaa: {  	s25 =	simm.s32 $0x1B8E;
	s24 =	sld [smem:$0x3FFE];
	[sflag:s23] =	ssyncadd.s32 $0xFFFFFFFF  }
0xab: {  	s26 =	simm.s32 $execute0_lowered;
	[smem:$0x3FD2] =	sst s25  }
0xac: {  	s5 =	sshll.u32 s26, $0x1;
	_ =	strace $0x80000049;
	[dreg:$0x1] =	wrdreg $0xFFFFFFFF  }
0xad: {  	s28 =	simm.s32 $_size_execute0_lowered;
	s3 =	sadd.s32 s3, s5;
	[dreg:$0x0] =	wrdreg $0x0  }
0xae: {  	s5 =	sshll.u32 s28, $0x1;
	[dreg:$0x2] =	wrdreg s3  }
0xaf: {  	[dreg:$0x3] =	wrdreg s5  }
0xb0: {  	[dreg:$0x4] =	wrdreg $0xC0  }
0xb1: {  	_ =	task [dreg:s7], $0x5FFFF  }
0xb2: {  	[dreg:$0x1] =	wrdreg $0xFFFFFFFF  }
0xb3: {  	[dreg:$0x0] =	wrdreg $0x60  }
0xb4: {  	[dreg:$0x2] =	wrdreg s24  }
0xb5: {  	[dreg:$0x3] =	wrdreg s16  }
0xb6: {  	[dreg:$0x4] =	wrdreg $0x9  }
0xb7: {  	_ =	task.clear_ibuf [dreg:s7], $0x5FFFF;
	_ =	strace $0x90000049  }
0xb8: {  	s29 =	simm.s32 $0x9;
	_ =	strace $0x8000004B  }
0xb9: {  	_ =	swait.ge [sflag:s29], $0x1  }
0xba: {  	[sflag:s29] =	ssyncadd.s32 $0xFFFFFFFF  }
0xbb: {  	_ =	strace $0x9000004B  }
0xbc: {  	_ =	sfence  }
0xbd: {  	s30 =	sld [smem:$0x0];
	_ =	sdelay $0x2  }
0xbe: {  	s31 =	sshll.u32 s1, $0xD;
	s1 =	sshrl.u32 s1, $0x2  }
0xbf: {  	s3 =	sand.u32 $0x4000, s31;
	s1 =	sadd.s32 s1, s30  }
0xc0: {  	s0 =	sor.u32 s3, s0;
	s1 =	sshll.u32 s1, $0x11  }
0xc1: {  	s0 =	sor.u32 s1, s0  }
0xc2: {  	s0 =	sadd.s32 $0x8F2B, s0  }
0xc3: {  	[sflag:s0] =	ssyncadd.remote.s32 $0x1  }
0xc4: {  	_ =	sfence.sel $0xFFFF  }
0xc5: {  	[dreg:$0x0] =	wrdreg $0xFFFFFFFF;
	(pc) =	sbr.abs _section_cstart, $3  }
0xc6: {  	[dreg:$0x1] =	wrdreg $0xFFFFFFFF  }
0xc7: {  	_ =	task.clear_ibuf [dreg:s7], $0x2FFFF;
	_ =	strace $0x9FFFFFFF  }
0xc8: {  	(tm) =	ssettm $0x7FFFFFFF  }
0xc9: {  	_ =	shalt  }
tec
execute0_lowered:
.L_overlay_start_1:
0x0: {  	(tag) =	ssettag $0x1  }
0x1: {  	s8 =	rddreg [dreg:$0x0]  }
0x2: {  	s2 =	rddreg [dreg:$0x1]  }
0x3: {  	s0 =	rddreg [dreg:$0x2];
	s1 =	stileid.u32  }
0x4: {  	s3 =	srdreg.scid;
	_ =	strace $0x8000004A;
	s4 =	simm.s32 $0x1  }
0x5: {  	s7 =	simm.s32 $0x1;
	s9 =	simm.s32 $0x1;
	s10 =	simm.s32 $0x3  }
0x6: {  	s13 =	simm.s32 $0x0;
	s5 =	sand.u32 $0x1, s3;
	s6 =	sshll.u32 s1, $0x1  }
0x7: {  	s12 =	simm.s32 $0x0;
	s3 =	sadd.s32 $0x6400, s8;
	s5 =	sor.u32 s6, s5  }
.Ltmp0:
0x8: {  	[sflag:s4] =	ssyncpa.u1 $0x0;
	p0 =	slt.u32 s5, $0x13;
	(pc) =	sbr.rel .LBB2_1-.Ltmp0, $4  }
0x9: {  	s6 =	simm.s32 $0x2;
	s7 =	simm.s32 @!p0 $0x0;
	p0 =	sne.s32 s5, $0x12  }
0xa: {  	[sflag:s6] =	ssyncpa.u1 $0x0;
	s5 =	smul.u32 $0x7D0, s5;
	s9 =	simm.s32 @!p0 $0x0  }
0xb: {  	s8 =	sadd.s32 $0x3200, s8;
	[sflag:s10] =	ssyncpa.u1 $0x0;
	s7 =	sadd.s32 s9, s7  }
0xc: {  	vm0 =	vmmov $0xffff;
	s10 =	simm.s32 $0x0;
	s11 =	smov.u32 s5;
	s9 =	sadd.s32 $0x1, s7  }
.LBB2_4:
0xd: {  	v2 =	vnsel vm1, $0x0, v2  }
0xe: {  	vm1 =	vgt.s32 v0, $0x0;
	v2 =	vmin.u32 v2, $0x1869F  }
0xf: {  	v0 =	vnsel vm1, $0x0, v0  }
0x10: {  	v0 =	vmin.u32 v0, $0x1869F  }
0x11: {  	[tilespmem:s18], [sflag:$0x1] =	stream.indirect_vreg.gather [hbm4b:s3+s10], $0x1, v1, vm0, $0x4038;
	[tilespmem:$0x1F40] =	vst v63  }
0x12: {  	(ifvalue) =	ssetifvalue $0x7FFFFFFF  }
0x13: {  	[tilespmem:s15], [sflag:$0x1] =	stream.indirect_vreg.gather [hbm4b:s3+s10], $0x1, v2, vm0, $0x4038;
	[tilespmem:$0x1F40] =	vst v63  }
0x14: {  	s29 =	sadd.s32 $0x10, s15;
	(ifvalue) =	ssetifvalue $0x7FFFFFFF  }
0x15: {  	[tilespmem:s29], [sflag:$0x1] =	stream.indirect_vreg.gather [hbm4b:s3+s10], $0x1, v0, vm0, $0x4038;
	[tilespmem:$0x1F40] =	vst v63  }
0x16: {  	_ =	swait.ge [sflag:s4], $0x7D0  }
0x17: {  	s30 =	sshrl.u32 s13, $0x3;
	[sflag:s4] =	ssyncset.done $0x0  }
0x18: {  	s31 =	sand.u32 $0x7, s13;
	s15 =	sadd.s32 s2, s30;
	[sflag:s4] =	ssyncadd.s32 $0xFFFFF830  }
0x19: {  	[hbm4b:s15+s31] =	stream.linear.scatter [tilespmem:s14], [sflag:$0x3], $0x7D0, $0x38;
	[tilespmem:$0x1F40] =	vst v63  }
.LBB2_5:
0x1a: {  	s15 =	sadd.s32 $0xFA00, s11  }
0x1b: {  	p1 =	sgt.s32 s15, $0x1869F  }
0x1c: {  	s15 =	smov.u32 @p1 s5;
	p1 =	sne.s32 s12, s9  }
.Ltmp1:
0x1d: {  	p0 =	slt.u32 s12, $0x2;
	(pc) =	sbr.rel @!p1 .LBB2_6-.Ltmp1, $4  }
0x1e: {  	s14 =	simm.s32 @!p0 $0x3  }
0x1f: {  	_ =	swait.ge @!p0 [sflag:s14], $0x7D0  }
0x20: {  	s16 =	sadd.s32 $0x1, s12;
	s13 =	smov.u32 s11;
	[sflag:s14] =	ssyncset.done @!p0 $0x0  }
0x21: {  	s12 =	smov.u32 s16;
	s11 =	smov.u32 s15;
	[sflag:s14] =	ssyncadd.s32 @!p0 $0xFFFFF830  }
.LBB2_1:
0x22: {  	p0 =	sge.u32 s12, s7  }
0x23: {  	s14 =	sxor.u32 @!p0 $0x1, s12  }
0x24: {  	s14 =	smul.u32 @!p0 $0x1F40, s14  }
0x25: {  	s31 =	sadd.s32 $0xFFFFFFFF, s12;
	s15 =	sshrl.u32 @!p0 s11, $0x3  }
0x26: {  	s16 =	sand.u32 @!p0 $0x7, s11;
	s15 =	sadd.s32 @!p0 s8, s15;
	s14 =	sshra.s32 @!p0 s14, $0x2  }
0x27: {  	[tilespmem:s14], [sflag:$0x2] =	stream.linear.gather @!p0 [hbm4b:s15+s16], $0x7D0, $0x38;
	[tilespmem:$0x1F40] =	vst v63  }
0x28: {  	p0 =	sge.u32 s31, s7  }
.Ltmp2:
0x29: {  	_ = 	snop;
	(pc) =	sbr.rel @p0 .LBB2_5-.Ltmp2, $1  }
0x2a: {  	_ =	sdelay $0x3  }
0x2b: {  	s14 =	sand.u32 $0x1, s12  }
0x2c: {  	_ =	swait.ge [sflag:s6], $0x7D0;
	p0 =	seq.s32 s14, $0x1;
	s14 =	simm.s32 $0x7D0  }
0x2d: {  	[sflag:s6] =	ssyncset.done $0x0;
	s14 =	simm.s32 @!p0 $0x0  }
0x2e: {  	[sflag:s6] =	ssyncadd.s32 $0xFFFFF830;
	(ifvalue) =	ssetifvalue $0x7FFFFFFF;
	v0 =	vld.msk [tilespmem:s14+$0x0 ss:$0x1], $0xffff;
	_ =	sdelay $0x4  }
0x2f: {  	s15 =	sadd.s32 $0x10, s14;
	vm1 =	vgt.s32 v0, $0x0  }
0x30: {  	v2 =	vld.msk [tilespmem:s15+$0x0 ss:$0x1], $0xffff;
	v1 =	vnsel vm1, $0x0, v0  }
0x31: {  	v1 =	vmin.u32 v1, $0x1869F;
	_ =	sdelay $0x2  }
0x32: {  	s17 =	simm.s32 $0x20;
	s14 =	sadd.s32 $0xFA0, s14;
	s16 =	sadd.s32 $0x10, s15  }
0x33: {  	s15 =	sadd.s32 $0x10, s14;
	s18 =	smov.u32 s14;
	v0 =	vld.msk [tilespmem:s16+$0x0 ss:$0x1], $0xffff;
	vm1 =	vgt.s32 v2, $0x0;
	(ifvalue) =	ssetifvalue $0x7FFFFFFF  }
.LBB2_3:
0x34: {  	[tilespmem:s18], [sflag:$0x1] =	stream.indirect_vreg.gather [hbm4b:s3+s10], $0x1, v1, vm0, $0x4038;
	[tilespmem:$0x1F40] =	vst v63  }
0x35: {  	s17 =	sadd.s32 $0x10, s17  }
0x36: {  	v2 =	vnsel vm1, $0x0, v2;
	p0 =	slt.u32 s17, $0x7C0  }
.Ltmp3:
0x37: {  	s18 =	smov.u32 s15;
	v1 =	vmin.u32 v2, $0x1869F;
	(pc) =	sbr.rel @p0 .LBB2_3-.Ltmp3, $3  }
0x38: {  	_ =	sdelay $0x1  }
0x39: {  	s16 =	sadd.s32 $0x10, s16  }
0x3a: {  	vm1 =	vgt.s32 v0, $0x0;
	s15 =	sadd.s32 $0x10, s15;
	v2 =	vmov v0;
	(ifvalue) =	ssetifvalue $0x7FFFFFFF;
	v0 =	vld.msk [tilespmem:s16+$0x0 ss:$0x1], $0xffff  }
.Ltmp4:
0x3b: {  	_ = 	snop;
	(pc) =	sbr.rel .LBB2_4-.Ltmp4, $1  }
0x3c: {  	_ =	sdelay $0x3  }
.LBB2_6:
0x3d: {  	_ =	sfence.sel $0x180000  }
0x3e: {  	s2 =	simm.s32 $0x2;
	[bflag:$0x0] =	sbarrier.arrive $0xFFFF  }
0x3f: {  	s30 =	simm.s32 $0x3;
	[sflag:s2] =	ssyncpa.u1 $0x1  }
0x40: {  	s31 =	simm.s32 $0x1;
	[sflag:s30] =	ssyncpa.u1 $0x1  }
0x41: {  	[sflag:s31] =	ssyncpa.u1 $0x1  }
0x42: {  	p0 =	sne.s32 s1, $0x0;
	_ =	strace $0x9000004A  }
0x43: {  	s0 =	sadd.s32 @!p0 $0x100000, s0;
	[bflag:$0x2] =	sbarrier.arrive $0xFFFF  }
0x44: {  	[sflag:s0] =	ssyncadd.tile.s32 @!p0 $0x1;
	_ =	shalt  }
.Lfunc_end2:
_tile_overlayer_lowered:
.L_overlay_start_2:
0x45: {  	(tag) =	ssettag $0x2  }
0x46: {  	s0 =	rddreg [dreg:$0x0];
	s2 =	stileid.u32  }
0x47: {  	s1 =	rddreg [dreg:$0x1];
	p0 =	sne.s32 s2, $0x0  }
0x48: {  	s3 =	rddreg [dreg:$0x2];
	[bflag:$0x3] =	sbarrier.arrive $0xFFFF;
	s2 =	simm.s32 @!p0 $0x1C01  }
0x49: {  	[timem:s3], [sflag:s2] =	dma.local @!p0 [hbm:s0], s1  }
0x4a: {  	s0 =	simm.s32 @!p0 $0x1  }
0x4b: {  	_ =	swait.ge @!p0 [sflag:s0], s1  }
0x4c: {  	s1 =	ssub.s32 @!p0 $0x0, s1;
	[sflag:s0] =	ssyncset.done @!p0 $0x0  }
0x4d: {  	[sflag:s0] =	ssyncadd.s32 @!p0 s1  }
0x4e: {  	[bflag:$0x3] =	sbarrier.arrive $0xFFFF  }
0x4f: {  	_ =	shalt  }

// kernel: scatter_offload_async_start.1
scs
__scs_entry_jumppad:
0x0: {  	(pc) =	sbr.rel $0x88, $3  }
0x1: {  	(tag) =	ssettag $0x0;
	lr =	simm.s32 $0x1  }
0x2: {  	[smem:$0x3F9B] =	sst lr;
	_ =	strace $0xD0000000  }
0x3: {  	_ = 	snop  }
0x4: {  	_ = 	snop  }
0x5: {  	_ = 	snop  }
0x6: {  	_ = 	snop  }
0x7: {  	_ = 	snop  }
__scs_overlays_trampoline_lowered:
0x8: {  	[smem:$0x3FAA] =	sst s0  }
0x9: {  	[smem:$0x3FAB] =	sst s1  }
0xa: {  	[smem:$0x3FAC] =	sst s2  }
0xb: {  	[smem:$0x3FAD] =	sst s3  }
0xc: {  	[smem:$0x3FAE] =	sst s4  }
0xd: {  	[smem:$0x3FAF] =	sst s5  }
0xe: {  	[smem:$0x3FB0] =	sst s6  }
0xf: {  	[smem:$0x3FB1] =	sst s7  }
0x10: {  	[smem:$0x3FB2] =	sst s8  }
0x11: {  	[smem:$0x3FB3] =	sst s9;
	s0 =	simm.s32 @!p0 $0x0  }
0x12: {  	s1 =	sld [smem:$0x3F99];
	s0 =	simm.s32 @p0 $0x1  }
0x13: {  	[smem:$0x3FB4] =	sst s0;
	s0 =	simm.s32 @!p1 $0x0  }
0x14: {  	s2 =	sld [smem:$0x3F98];
	s0 =	simm.s32 @p1 $0x1  }
0x15: {  	[smem:$0x3FB5] =	sst s0;
	s0 =	simm.s32 @!p2 $0x0  }
0x16: {  	s3 =	sld [smem:$0x3FDB];
	s0 =	simm.s32 @p2 $0x1  }
0x17: {  	s4 =	simm.s32 $0x1BF5;
	[smem:$0x3FB7] =	sst s0  }
0x18: {  	s0 =	sld [smem:$0x3F9A];
	_ =	swait.ge [sflag:s4], $0x0  }
0x19: {  	s7 =	sld [smem:$0x3F9B]  }
0x1a: {  	s8 =	sadd.s32 $0xFFFFE003, lr  }
0x1b: {  	s9 =	sadd.s32 $0xFFFFFEF7, lr;
	s5 =	simm.s32 $0xFFFFFFFF;
	p2 =	slt.u32 s8, $0xFFFFF086  }
0x1c: {  	p1 =	slt.u32 s9, $0xF7A;
	s5 =	simm.s32 @!p2 $0x0  }
0x1d: {  	s5 =	simm.s32 @p1 $0x1;
	p0 =	seq.s32 s7, s2  }
0x1e: {  	s7 =	smul.u32 @!p0 $0xF7A, s2;
	p2 =	seq.s32 @!p0 s5, $0x0  }
0x1f: {  	s9 =	smul.u32 $0xF7A, s1;
	s8 =	simm.s32 @!p0 $0x1BF5;
	p2 =	por !p2, p0  }
0x20: {  	[sflag:s8] =	ssyncset.s32 @!p0 $0xFFFFF086;
	s6 =	sadd.s32 @!p0 s3, s7;
	s7 =	simm.s32 @!p0 $0x108  }
0x21: {  	s3 =	sadd.s32 s3, s9;
	s6 =	sadd.s32 @!p0 $0x88, s6;
	s7 =	simm.s32 @p2 $0x1082  }
0x22: {  	[simem:s7], [sflag:s8] =	dma.local @!p0 [hbm:s6], $0xF7A  }
0x23: {  	s9 =	sor.u32 $0xD0000000, s2;
	s6 =	simm.s32 $0x108;
	_ =	swait.ge @!p0 [sflag:s8], $0x0  }
0x24: {  	s3 =	sadd.s32 $0x88, s3;
	s6 =	simm.s32 @!p1 $0x1082;
	[sflag:s4] =	ssyncset.s32 $0xFFFFF086  }
0x25: {  	[simem:s6], [sflag:s4] =	dma.local [hbm:s3], $0xF7A  }
0x26: {  	[smem:$0x3F9B] =	sst s1;
	(tag) =	ssettag s2;
	_ =	strace s9  }
0x27: {  	s1 =	sld [smem:$0x3FAB]  }
0x28: {  	s2 =	sld [smem:$0x3FAC]  }
0x29: {  	s4 =	sld [smem:$0x3FAE]  }
0x2a: {  	p0 =	seq.s32 s5, $0x0;
	s5 =	sld [smem:$0x3FAF]  }
0x2b: {  	s6 =	sld [smem:$0x3FB0]  }
0x2c: {  	s7 =	sld [smem:$0x3FB1]  }
0x2d: {  	s3 =	simm.s32 $0x108;
	s8 =	sld [smem:$0x3FB2]  }
0x2e: {  	s3 =	simm.s32 @!p0 $0x1082;
	s9 =	sld [smem:$0x3FB3]  }
0x2f: {  	lr =	sadd.s32 s0, s3;
	s0 =	sld [smem:$0x3FAA]  }
0x30: {  	s3 =	sld [smem:$0x3FAD]  }
0x31: {  	[smem:$0x3FB6] =	sst s10  }
0x32: {  	s10 =	sld [smem:$0x3FB4];
	_ =	sdelay $0x3  }
0x33: {  	p0 =	seq.s32 s10, $0x1;
	s10 =	sld [smem:$0x3FB6];
	_ =	sdelay $0x3  }
0x34: {  	[smem:$0x3FB6] =	sst s10  }
0x35: {  	s10 =	sld [smem:$0x3FB5];
	_ =	sdelay $0x3  }
0x36: {  	p1 =	seq.s32 s10, $0x1;
	s10 =	sld [smem:$0x3FB6];
	_ =	sdelay $0x3  }
0x37: {  	[smem:$0x3FB6] =	sst s10  }
0x38: {  	s10 =	sld [smem:$0x3FB7]  }
0x39: {  	_ = 	snop;
	(pc) =	sbr.ind lr, $3  }
0x3a: {  	_ = 	snop  }
0x3b: {  	_ = 	snop  }
0x3c: {  	p2 =	seq.s32 s10, $0x1;
	s10 =	sld [smem:$0x3FB6]  }
0x3d: {  	_ =	shalt  }
0x3e: {  	_ =	shalt  }
0x3f: {  	_ =	shalt  }
0x40: {  	_ =	shalt  }
0x41: {  	_ =	shalt  }
0x42: {  	_ =	shalt  }
0x43: {  	_ =	shalt  }
0x44: {  	_ =	shalt  }
0x45: {  	_ =	shalt  }
0x46: {  	_ =	shalt  }
0x47: {  	_ =	shalt  }
0x48: {  	_ =	shalt  }
0x49: {  	_ =	shalt  }
0x4a: {  	_ =	shalt  }
0x4b: {  	_ =	shalt  }
0x4c: {  	_ =	shalt  }
0x4d: {  	_ =	shalt  }
0x4e: {  	_ =	shalt  }
0x4f: {  	_ =	shalt  }
0x50: {  	_ =	shalt  }
0x51: {  	_ =	shalt  }
0x52: {  	_ =	shalt  }
0x53: {  	_ =	shalt  }
0x54: {  	_ =	shalt  }
0x55: {  	_ =	shalt  }
0x56: {  	_ =	shalt  }
0x57: {  	_ =	shalt  }
0x58: {  	_ =	shalt  }
0x59: {  	_ =	shalt  }
0x5a: {  	_ =	shalt  }
0x5b: {  	_ =	shalt  }
0x5c: {  	_ =	shalt  }
0x5d: {  	_ =	shalt  }
0x5e: {  	_ =	shalt  }
0x5f: {  	_ =	shalt  }
0x60: {  	_ =	shalt  }
0x61: {  	_ =	shalt  }
0x62: {  	_ =	shalt  }
0x63: {  	_ =	shalt  }
0x64: {  	_ =	shalt  }
0x65: {  	_ =	shalt  }
0x66: {  	_ =	shalt  }
0x67: {  	_ =	shalt  }
0x68: {  	_ =	shalt  }
0x69: {  	_ =	shalt  }
0x6a: {  	_ =	shalt  }
0x6b: {  	_ =	shalt  }
0x6c: {  	_ =	shalt  }
0x6d: {  	_ =	shalt  }
0x6e: {  	_ =	shalt  }
0x6f: {  	_ =	shalt  }
0x70: {  	_ =	shalt  }
0x71: {  	_ =	shalt  }
0x72: {  	_ =	shalt  }
0x73: {  	_ =	shalt  }
0x74: {  	_ =	shalt  }
0x75: {  	_ =	shalt  }
0x76: {  	_ =	shalt  }
0x77: {  	_ =	shalt  }
0x78: {  	_ =	shalt  }
0x79: {  	_ =	shalt  }
0x7a: {  	_ =	shalt  }
0x7b: {  	_ =	shalt  }
0x7c: {  	_ =	shalt  }
0x7d: {  	_ =	shalt  }
0x7e: {  	_ =	shalt  }
0x7f: {  	_ =	shalt  }
0x80: {  	_ =	shalt  }
0x81: {  	_ =	shalt  }
0x82: {  	_ =	shalt  }
0x83: {  	_ =	shalt  }
0x84: {  	_ =	shalt  }
0x85: {  	_ =	shalt  }
0x86: {  	_ =	shalt  }
0x87: {  	_ =	shalt  }
.Lfunc_end0:
.L_simem_size_0:
called_computation.1_lowered:
.L_overlay_start_0:
0x88: {  	s2 =	sld [smem:$0x3FD9]  }
0x89: {  	s3 =	sld [smem:$0x3FFE];
	_ =	sdelay $0x1  }
0x8a: {  	s1 =	srdreg.scid  }
0x8b: {  	s0 =	sand.u32 $0x1, s1  }
0x8c: {  	s13 =	sshll.u32 s0, $0xA;
	s2 =	sadd.s32 s3, s2  }
0x8d: {  	s2 =	sadd.s32 s2, s13  }
0x8e: {  	[smem:$0x3FC2] =	sst s2  }
0x8f: {  	_ = 	snop  }
0x90: {  	s2 =	sld [smem:$0x3FD0];
	_ =	sdelay $0x2  }
0x91: {  	s14 =	simm.s32 $0xA;
	s4 =	simm.s32 $0x10  }
0x92: {  	[smem:s4], [sflag:s14] =	dma.local [hbm:s2], $0x1  }
0x93: {  	_ =	swait.eq [sflag:s14], $0x1  }
0x94: {  	[sflag:s14] =	ssyncset.done $0x0  }
0x95: {  	[sflag:s14] =	ssyncadd.s32 $0xFFFFFFFF  }
0x96: {  	s15 =	sld [smem:$0x12];
	(tm) =	ssettm $0x1  }
0x97: {  	s16 =	sld [smem:$0x3FFB];
	_ =	sdelay $0x3  }
0x98: {  	_ =	strace s16  }
0x99: {  	s3 =	sld [smem:$0x3FFC];
	_ =	sdelay $0x3  }
0x9a: {  	_ =	strace s3  }
0x9b: {  	s3 =	sld [smem:$0x3FFD];
	_ =	sdelay $0x3  }
0x9c: {  	_ =	strace s3  }
0x9d: {  	_ =	strace $0x8FFFFFFF  }
0x9e: {  	s17 =	sld [smem:$0x3FDB];
	_ =	sdelay $0x1  }
0x9f: {  	s18 =	simm.s32 $_scs_section_size  }
0xa0: {  	s5 =	simm.s32 $_size__tile_overlayer_lowered;
	s6 =	simm.s32 $_tile_overlayer_lowered  }
0xa1: {  	s21 =	simm.s32 $0x1BFF;
	s20 =	sshll.u32 s6, $0x1;
	s3 =	sadd.s32 s18, s17  }
0xa2: {  	s7 =	simm.s32 $0x0;
	s19 =	sshll.u32 s5, $0x1;
	s5 =	sadd.s32 s20, s3  }
0xa3: {  	[timem:s7], [sflag:s21] =	dma.local [hbm:s5], s19  }
0xa4: {  	_ =	swait.ge [sflag:s21], s19  }
0xa5: {  	s4 =	ssub.s32 $0x0, s19;
	[sflag:s21] =	ssyncset.done $0x0  }
0xa6: {  	[sflag:s21] =	ssyncadd.s32 s4;
	_ =	sdelay $0x1  }
0xa7: {  	s22 =	simm.s32 $0x1B8B  }
0xa8: {  	_ =	swait.ge [sflag:s22], $0x1  }
0xa9: {  	[sflag:s22] =	ssyncset.done $0x0  }
0xaa: {  	s23 =	sld [smem:$0x3FFE];
	[sflag:s22] =	ssyncadd.s32 $0xFFFFFFFF  }
0xab: {  	s25 =	simm.s32 $0x1B8E;
	s24 =	sld [smem:$0x0]  }
0xac: {  	s26 =	simm.s32 $execute0_lowered;
	[smem:$0x3FD2] =	sst s25  }
0xad: {  	s6 =	sshll.u32 s26, $0x1;
	_ =	strace $0x8000004C;
	[dreg:$0x1] =	wrdreg $0xFFFFFFFF  }
0xae: {  	s28 =	simm.s32 $_size_execute0_lowered;
	s3 =	sadd.s32 s3, s6;
	[dreg:$0x0] =	wrdreg $0x0  }
0xaf: {  	s6 =	sshll.u32 s28, $0x1;
	[dreg:$0x2] =	wrdreg s3  }
0xb0: {  	[dreg:$0x3] =	wrdreg s6  }
0xb1: {  	[dreg:$0x4] =	wrdreg $0xC0  }
0xb2: {  	_ =	task [dreg:s7], $0x5FFFF  }
0xb3: {  	[dreg:$0x1] =	wrdreg $0xFFFFFFFF  }
0xb4: {  	[dreg:$0x0] =	wrdreg $0x60  }
0xb5: {  	[dreg:$0x2] =	wrdreg s15  }
0xb6: {  	[dreg:$0x3] =	wrdreg s23  }
0xb7: {  	[dreg:$0x4] =	wrdreg s1  }
0xb8: {  	[dreg:$0x5] =	wrdreg s24  }
0xb9: {  	[dreg:$0x6] =	wrdreg $0x9  }
0xba: {  	_ =	task.clear_ibuf [dreg:s7], $0x7FFFF;
	_ =	strace $0x9000004C  }
0xbb: {  	s29 =	simm.s32 $0x9;
	_ =	strace $0x8000004E  }
0xbc: {  	_ =	swait.ge [sflag:s29], $0x1  }
0xbd: {  	[sflag:s29] =	ssyncadd.s32 $0xFFFFFFFF  }
0xbe: {  	_ =	strace $0x9000004E  }
0xbf: {  	_ =	sfence  }
0xc0: {  	s30 =	sld [smem:$0x0];
	_ =	sdelay $0x2  }
0xc1: {  	s31 =	sshll.u32 s1, $0xD;
	s1 =	sshrl.u32 s1, $0x2  }
0xc2: {  	s3 =	sand.u32 $0x4000, s31;
	s1 =	sadd.s32 s1, s30  }
0xc3: {  	s0 =	sor.u32 s3, s0;
	s1 =	sshll.u32 s1, $0x11  }
0xc4: {  	s0 =	sor.u32 s1, s0  }
0xc5: {  	s0 =	sadd.s32 $0x8F2B, s0  }
0xc6: {  	[sflag:s0] =	ssyncadd.remote.s32 $0x1  }
0xc7: {  	_ =	sfence.sel $0xFFFF  }
0xc8: {  	[dreg:$0x0] =	wrdreg $0xFFFFFFFF;
	(pc) =	sbr.abs _section_cstart, $3  }
0xc9: {  	[dreg:$0x1] =	wrdreg $0xFFFFFFFF  }
0xca: {  	_ =	task.clear_ibuf [dreg:s7], $0x2FFFF;
	_ =	strace $0x9FFFFFFF  }
0xcb: {  	(tm) =	ssettm $0x7FFFFFFF  }
tec
execute0_lowered:
.L_overlay_start_1:
0x0: {  	(tag) =	ssettag $0x1  }
0x1: {  	s1 =	rddreg [dreg:$0x0]  }
0x2: {  	s0 =	rddreg [dreg:$0x1]  }
0x3: {  	s3 =	rddreg [dreg:$0x2];
	_ =	strace $0x8000004D;
	s2 =	simm.s32 $0x1  }
0x4: {  	s9 =	simm.s32 $0x108;
	v0 =	vimm.s32 $0x0;
	[sflag:s2] =	ssyncpa.u1 $0x0  }
0x5: {  	[tilespmem:s9+$0x70] =	vst v0  }
0x6: {  	[tilespmem:s9+$0x60] =	vst v0  }
0x7: {  	[tilespmem:s9+$0x50] =	vst v0  }
0x8: {  	[tilespmem:s9+$0x40] =	vst v0  }
0x9: {  	[tilespmem:s9+$0x30] =	vst v0  }
0xa: {  	s15 =	sadd.s32 $0x9600, s0;
	s6 =	sadd.s32 $0x30DA00, s0;
	[tilespmem:s9+$0x20] =	vst v0  }
0xb: {  	s14 =	sadd.s32 $0xC800, s0;
	s5 =	sand.u32 $0x1, s3;
	s0 =	simm.s32 $0x40;
	[tilespmem:s9+$0x10] =	vst v0  }
.LBB2_1:
0xc: {  	s0 =	sadd.s32 $0x40, s0;
	[tilespmem:s9+$0x0] =	vst v0;
	s9 =	sadd.s32 $0x80, s9  }
0xd: {  	p0 =	slt.u32 s0, $0x3C40;
	[tilespmem:s9+$0x70] =	vst v0  }
0xe: {  	[tilespmem:s9+$0x60] =	vst v0  }
.Ltmp0:
0xf: {  	[tilespmem:s9+$0x50] =	vst v0;
	(pc) =	sbr.rel @p0 .LBB2_1-.Ltmp0, $4  }
0x10: {  	[tilespmem:s9+$0x40] =	vst v0  }
0x11: {  	[tilespmem:s9+$0x30] =	vst v0  }
0x12: {  	[tilespmem:s9+$0x20] =	vst v0  }
0x13: {  	[tilespmem:s9+$0x10] =	vst v0  }
0x14: {  	s16 =	stileid.u32  }
0x15: {  	s0 =	simm.s32 $0x1;
	p0 =	sne.s32 s16, $0x0;
	s2 =	smul.u32 $0xD, s16  }
0x16: {  	s0 =	simm.s32 @!p0 $0x0  }
0x17: {  	s0 =	sadd.s32 s0, s2  }
0x18: {  	p1 =	seq.s32 s16, $0x0;
	s7 =	smul.u32 $0xF0, s0;
	s0 =	simm.s32 $0xD20  }
0x19: {  	s0 =	simm.s32 @!p1 $0xC30  }
0x1a: {  	s0 =	sadd.s32 s0, s7  }
0x1b: {  	s8 =	smin.u32 s0, $0xC350  }
0x1c: {  	s0 =	ssub.s32 s8, s7  }
0x1d: {  	p1 =	sgt.s32 s0, $0x0  }
0x1e: {  	s3 =	simm.s32 $0x2;
	s10 =	simm.s32 $0x9;
	s0 =	simm.s32 @!p1 $0x0  }
0x1f: {  	s4 =	simm.s32 $0xA;
	s11 =	simm.s32 $0xB;
	s29 =	smul.u32 $0x8889, s0  }
0x20: {  	[dreg:$0x5] =	wrdreg s5;
	s31 =	smul.u32 $0x186A, s5;
	s12 =	simm.s32 $0x1  }
0x21: {  	s22 =	simm.s32 $0x0;
	s18 =	simm.s32 $0xC;
	s2 =	sshrl.u32 s29, $0x17  }
0x22: {  	s20 =	simm.s32 $0x0;
	s21 =	simm.s32 $0x0;
	s30 =	smul.u32 $0xF0, s2  }
.Ltmp1:
0x23: {  	[tilespmem:s9+$0x0] =	vst v0;
	v0 =	vimm.s32 $0xFFFFFFFF;
	[sflag:s3] =	ssyncpa.u1 $0x0;
	s16 =	sshll.u32 s16, $0x8;
	(pc) =	sbr.rel .LBB2_3-.Ltmp1, $4  }
0x24: {  	[tilespmem:$0xF208] =	vst v0;
	[sflag:s10] =	ssyncpa.u1 $0x0;
	p1 =	sne.s32 s0, s30;
	s0 =	simm.s32 $0x1  }
0x25: {  	s14 =	sadd.s32 s31, s14;
	[sflag:s4] =	ssyncpa.u1 $0x0;
	s0 =	simm.s32 @!p1 $0x0  }
0x26: {  	s15 =	sadd.s32 s31, s15;
	[sflag:s11] =	ssyncpa.u1 $0x0;
	s13 =	sadd.s32 s2, s0  }
0x27: {  	v0 =	vlaneseq.u32;
	s19 =	smov.u32 s7;
	p1 =	por $0x0, $0x0;
	s17 =	sadd.s32 $0x1, s13  }
.LBB2_18:
0x28: {  	s0 =	sshrl.u32 s31, $0x2  }
.LBB2_20:
0x29: {  	_ =	swait.ge [sflag:s18], s0  }
0x2a: {  	s31 =	ssub.s32 $0x0, s0;
	v1 =	vmov s24;
	vm0 =	veq.s32 v0, $0x0;
	[sflag:s18] =	ssyncset.done $0x0  }
0x2b: {  	vm15 =	veq.s32 v0, $0x2;
	v1 =	vsel vm0, s30, v1;
	[sflag:s18] =	ssyncadd.s32 s31  }
0x2c: {  	v1 =	vsel vm15, s22, v1;
	[sflag:s18] =	ssyncpa.u1 $0x1  }
0x2d: {  	[tilespmem:$0xF208] =	vst v1  }
.LBB2_21:
0x2e: {  	s0 =	sadd.s32 $0xF0, s19  }
0x2f: {  	s2 =	smov.u32 s7;
	p2 =	slt.s32 s0, s8  }
0x30: {  	s2 =	smov.u32 @p2 s0;
	p2 =	sne.s32 s21, s17  }
.Ltmp2:
0x31: {  	_ = 	snop;
	(pc) =	sbr.rel @!p2 .LBB2_22-.Ltmp2, $3  }
0x32: {  	_ =	sdelay $0x1  }
0x33: {  	s22 =	smov.u32 s20;
	s31 =	sadd.s32 $0x1, s21;
	s20 =	smov.u32 s19  }
0x34: {  	p1 =	por !p1, !p1;
	s21 =	smov.u32 s31;
	s19 =	smov.u32 s2  }
.LBB2_3:
0x35: {  	p2 =	sge.u32 s21, s13  }
0x36: {  	s0 =	smulhi.u32 @!p2 $0xAAAAAAAB, s21  }
0x37: {  	s2 =	smov.u32 s19;
	p3 =	sgt.s32 @!p2 s19, $0xC260  }
0x38: {  	s3 =	sshra.s32 @!p2 s19, $0x1F;
	p3 =	por !p3, p2;
	s0 =	sshrl.u32 @!p2 s0, $0x1  }
0x39: {  	s3 =	sand.u32 @!p2 s3, s19;
	s2 =	simm.s32 @p3 $0xC260;
	s0 =	smul.u32 @!p2 $0x3, s0  }
0x3a: {  	s2 =	ssub.s32 @!p2 s2, s3  }
0x3b: {  	s2 =	sadd.s32 @!p2 $0xFFFF3DA0, s2;
	s0 =	ssub.s32 @!p2 s21, s0  }
0x3c: {  	s3 =	sshll.u32 @!p2 s2, $0x2;
	p3 =	sgt.s32 @!p2 s2, $0xEF;
	s0 =	smul.u32 @!p2 $0x3C0, s0  }
0x3d: {  	s4 =	sand.u32 @!p2 $0x7, s19;
	s2 =	ssub.s32 @!p2 $0x3C0, s3;
	p3 =	por !p3, p2  }
0x3e: {  	s3 =	sshrl.u32 @!p2 s19, $0x3;
	s2 =	sshrl.u32 @!p2 s2, $0x2;
	s0 =	sshrl.u32 @!p2 s0, $0x2  }
0x3f: {  	s3 =	sadd.s32 @!p2 s3, s14;
	s2 =	simm.s32 @!p3 $0x0;
	s0 =	sadd.s32 @!p2 $0x10248, s0  }
0x40: {  	[tilespmem:s0], [sflag:$0xA] =	stream.linear.gather @!p2 [hbm4b:s3+s4], s2, $0x38;
	[tilespmem:$0x1F6F8] =	vst v63  }
0x41: {  	s0 =	sadd.s32 $0xFFFFFFFF, s21  }
0x42: {  	p2 =	sge.u32 s0, s13  }
0x43: {  	p3 =	sgt.s32 @!p2 s20, $0xC260  }
0x44: {  	s2 =	smov.u32 s20;
	s3 =	sshra.s32 @!p2 s20, $0x1F;
	p3 =	por !p3, p2  }
0x45: {  	s3 =	sand.u32 @!p2 s3, s20;
	s2 =	simm.s32 @p3 $0xC260  }
0x46: {  	s2 =	ssub.s32 @!p2 s2, s3  }
0x47: {  	s2 =	sadd.s32 @!p2 $0xFFFF3DA0, s2  }
0x48: {  	s4 =	sand.u32 @!p2 $0x1, s0;
	s3 =	sshll.u32 @!p2 s2, $0x2  }
0x49: {  	p3 =	sgt.s32 @!p2 s2, $0xEF;
	s2 =	ssub.s32 @!p2 $0x3C0, s3;
	s3 =	smulhi.u32 @!p2 $0xAAAAAAAB, s0  }
0x4a: {  	s23 =	smul.u32 @!p2 $0x3C0, s4;
	p3 =	por !p3, p2;
	s2 =	sshrl.u32 @!p2 s2, $0x2  }
0x4b: {  	s5 =	simm.s32 @!p2 $0xA;
	s2 =	simm.s32 @!p3 $0x0;
	s3 =	sshrl.u32 @!p2 s3, $0x1  }
0x4c: {  	s23 =	sshrl.u32 @!p2 s23, $0x2;
	_ =	swait.ge @!p2 [sflag:s5], s2;
	s3 =	smul.u32 @!p2 $0x3, s3  }
0x4d: {  	s23 =	sadd.s32 @!p2 $0x10518, s23;
	s24 =	ssub.s32 @!p2 $0x0, s2;
	[sflag:s5] =	ssyncset.done @!p2 $0x0  }
0x4e: {  	[sflag:s5] =	ssyncadd.s32 @!p2 s24;
	s5 =	sshrl.u32 @!p2 s20, $0x3;
	s0 =	ssub.s32 @!p2 s0, s3  }
0x4f: {  	s24 =	sand.u32 @!p2 $0x7, s20;
	s5 =	sadd.s32 @!p2 s5, s15;
	s0 =	smul.u32 @!p2 $0x3C0, s0  }
0x50: {  	[tilespmem:s23], [sflag:$0xB] =	stream.linear.gather @!p2 [hbm4b:s5+s24], s2, $0x38;
	[tilespmem:$0x1F6F8] =	vst v63  }
0x51: {  	s3 =	ssub.s32 @!p2 $0xC350, s20;
	s2 =	smul.u32 @!p2 $0x1E000, s4  }
0x52: {  	p3 =	slt.s32 @!p2 s3, $0xF0  }
0x53: {  	p3 =	por !p3, p2;
	s0 =	sshrl.u32 @!p2 s0, $0x2;
	s2 =	sshrl.u32 @!p2 s2, $0x2  }
0x54: {  	s3 =	simm.s32 @p3 $0xF0;
	s0 =	sadd.s32 @!p2 $0x10248, s0;
	s2 =	sor.u32 @!p2 $0x106F8, s2  }
0x55: {  	[tilespmem:s2], [sflag:$0x9] =	stream.indirect.gather @!p2 [hbm4b:s6+s3], $0x80, s0, s3, $0xb8;
	[tilespmem:$0x1F6F8] =	vst v63  }
0x56: {  	p2 =	slt.u32 s21, $0x2  }
.Ltmp3:
0x57: {  	_ = 	snop;
	(pc) =	sbr.rel @p2 .LBB2_21-.Ltmp3, $1  }
0x58: {  	_ =	sdelay $0x3  }
0x59: {  	p2 =	sgt.s32 s22, $0xC260  }
0x5a: {  	s0 =	smov.u32 s22;
	s2 =	sshra.s32 s22, $0x1F;
	s3 =	ssub.s32 $0xC350, s22  }
0x5b: {  	s0 =	simm.s32 @!p2 $0xC260;
	s2 =	sand.u32 s2, s22;
	p2 =	slt.s32 s3, $0xF0  }
0x5c: {  	s0 =	ssub.s32 s0, s2;
	s3 =	simm.s32 @!p2 $0xF0  }
0x5d: {  	s0 =	sadd.s32 $0xFFFF3DA0, s0;
	s25 =	sshll.u32 s3, $0x7  }
0x5e: {  	s26 =	sshll.u32 s0, $0x2;
	s2 =	sand.u32 $0x3FFFFF80, s25  }
0x5f: {  	p2 =	sgt.s32 s0, $0xEF;
	s29 =	ssub.s32 $0x3C0, s26;
	_ =	swait.ge [sflag:s10], s2  }
0x60: {  	s2 =	ssub.s32 $0x0, s2;
	[sflag:s10] =	ssyncset.done $0x0;
	s0 =	sshrl.u32 s29, $0x2  }
0x61: {  	[sflag:s10] =	ssyncadd.s32 s2;
	s0 =	simm.s32 @p2 $0x0  }
0x62: {  	_ =	swait.ge [sflag:s11], s0  }
0x63: {  	s0 =	ssub.s32 $0x0, s0;
	[sflag:s11] =	ssyncset.done $0x0  }
0x64: {  	[sflag:s11] =	ssyncadd.s32 s0  }
0x65: {  	v1 =	vld [tilespmem:$0xF208];
	_ =	sdelay $0x4  }
0x66: {  	(v2sf) =	vpush v1, $0x0  }
0x67: {  	(v2sf) =	vpush v1, $0x1  }
0x68: {  	(v2sf) =	vpush v1, $0x2;
	_ =	sdelay $0x3  }
0x69: {  	s0 =	sadd.s32 $0xF0, s22  }
0x6a: {  	s2 =	ssub.s32 $0x186A0, s22;
	p2 =	slt.s32 s8, s0  }
0x6b: {  	s0 =	smov.u32 @p2 s8;
	p2 =	sgt.s32 s2, $0x0  }
0x6c: {  	s26 =	ssub.s32 s0, s22;
	s2 =	simm.s32 @!p2 $0x0  }
0x6d: {  	p2 =	slt.s32 s2, s26  }
0x6e: {  	s26 =	smov.u32 @p2 s2  }
0x6f: {  	s25 =	simm.s32 $0x1;
	p2 =	slt.s32 s26, $0x1  }
.Ltmp4:
0x70: {  	s25 =	simm.s32 @!p1 $0x0;
	(pc) =	sbr.rel @p2 .LBB2_8-.Ltmp4, $4  }
0x71: {  	s31 =	smul.u32 $0x3C0, s25  }
0x72: {  	s28 =	spop (v2sf)  }
0x73: {  	s0 =	sshrl.u32 s31, $0x2;
	s30 =	spop (v2sf)  }
0x74: {  	s23 =	sadd.s32 $0x10518, s0;
	s22 =	spop (v2sf)  }
0x75: {  	s0 =	smin.u32 s26, $0x10  }
0x76: {  	v1 =	vmov s0  }
0x77: {  	p3 =	sgt.s32 s26, $0x10;
	vm1 =	vgt.u32 v1, v0  }
.Ltmp5:
0x78: {  	_ = 	snop;
	(pc) =	sbr.rel @!p3 .LBB2_7-.Ltmp5, $2  }
0x79: {  	_ =	sdelay $0x2  }
0x7a: {  	s4 =	simm.s32 $0x10;
	s24 =	sadd.s32 $0xFFFFFFF0, s26;
	s0 =	smov.u32 s23;
	vm0 =	vmmov vm1  }
.LBB2_6:
0x7b: {  	s2 =	smin.u32 s24, $0x10;
	s4 =	sadd.s32 $0x10, s4;
	v1 =	vld.msk [tilespmem:s0+$0x0 ss:$0x1], vm1  }
0x7c: {  	v2 =	vmov s2;
	p3 =	slt.s32 s4, s26  }
0x7d: {  	vm1 =	vgt.u32 v2, v0  }
.Ltmp6:
0x7e: {  	(pc) =	sbr.rel @p3 .LBB2_6-.Ltmp6, $3  }
0x7f: {  	_ =	sdelay $0x1  }
0x80: {  	v1 =	vshll.u32 v1, $0x4  }
0x81: {  	s24 =	sadd.s32 $0xFFFFFFF0, s24;
	[tilespmem:s0+$0x0] =	vst.msk vm0, v1;
	s0 =	sadd.s32 $0x10, s0;
	vm0 =	vmmov vm1  }
.LBB2_7:
0x82: {  	_ =	sdelay $0x4  }
0x83: {  	v1 =	vld.msk [tilespmem:s0+$0x0 ss:$0x1], vm1;
	_ =	sdelay $0x4  }
0x84: {  	v1 =	vshll.u32 v1, $0x4  }
0x85: {  	[tilespmem:s0+$0x0] =	vst.msk vm0, v1  }
.LBB2_8:
0x86: {  	s0 =	sand.u32 $0x1, s21  }
0x87: {  	s0 =	smul.u32 $0xF0, s0  }
0x88: {  	p3 =	sne.s32 s30, $0xFFFFFFFF  }
0x89: {  	v1 =	vld.msk @!p3 [tilespmem:s0+$0x10518], $0x1;
	_ =	sdelay $0x4  }
0x8a: {  	(v2sf) =	vpush @!p3 v1, $0x0;
	_ =	sdelay $0xc  }
.Ltmp7:
0x8b: {  	_ = 	snop;
	(pc) =	sbr.rel @p2 .LBB2_19-.Ltmp7, $4  }
0x8c: {  	_ = 	snop  }
0x8d: {  	s29 =	spop @!p3 (v2sf)  }
0x8e: {  	s22 =	simm.s32 @!p3 $0x0;
	s24 =	smov.u32 s29  }
0x8f: {  	[sflag:s18] =	ssyncpa.u1 $0x0;
	s29 =	smov.u32 @p3 s28;
	s24 =	smov.u32 @p3 s30  }
0x90: {  	v1 =	vld.msk [tilespmem:s23+$0x0], $0x1;
	_ =	sdelay $0x4  }
0x91: {  	(v2sf) =	vpush v1, $0x0;
	_ =	sdelay $0xe  }
0x92: {  	s2 =	smul.u32 $0x1E000, s25;
	s0 =	spop (v2sf)  }
0x93: {  	s26 =	ssub.s32 $0x0, s26;
	p2 =	seq.s32 s29, s0  }
0x94: {  	s30 =	sadd.s32 $0x1, s26;
	s2 =	sshrl.u32 s2, $0x2;
	p3 =	sgt.s32 @!p2 s29, $0x0  }
0x95: {  	s25 =	sor.u32 $0x10738, s2;
	s2 =	smov.u32 s29;
	p3 =	por !p3, p2  }
0x96: {  	s2 =	simm.s32 @p3 $0x0;
	p3 =	seq.s32 s30, $0x0  }
.Ltmp8:
0x97: {  	_ = 	snop;
	(pc) =	sbr.rel @p3 .LBB2_11-.Ltmp8, $4  }
0x98: {  	_ = 	snop  }
0x99: {  	s28 =	simm.s32 $0x0;
	s31 =	sadd.s32 $0x1, s23;
	s2 =	smin.u32 @!p2 s2, $0x1869F0  }
0x9a: {  	s4 =	simm.s32 @!p2 $0x1;
	s5 =	simm.s32 @!p2 $0x7988;
	s3 =	sand.u32 @!p2 $0x1FFFF8, s2  }
0x9b: {  	s4 =	smov.u32 @p2 s28;
	s2 =	sand.u32 @!p2 $0x7, s2;
	s3 =	sadd.s32 @!p2 s1, s3  }
.LBB2_10:
0x9c: {  	s9 =	smov.u32 s4  }
0x9d: {  	[tilespmem:s5], [sflag:$0x2] =	stream.linear.gather @!p2 [hbm4b:s3+s2], $0x80, $0x38;
	[tilespmem:$0x1F6F8] =	vst v63  }
0x9e: {  	s30 =	sadd.s32 $0x1, s30;
	s2 =	smov.u32 s0;
	v1 =	vld.msk [tilespmem:s31+$0x0], $0x1  }
0x9f: {  	p3 =	seq.s32 s30, $0x0;
	_ =	sdelay $0x3  }
0xa0: {  	(v2sf) =	vpush v1, $0x0;
	_ =	sdelay $0xe  }
0xa1: {  	s0 =	spop (v2sf)  }
0xa2: {  	p2 =	seq.s32 s2, s0  }
0xa3: {  	p4 =	sgt.s32 @!p2 s2, $0x0;
	s3 =	sshll.u32 @!p2 s4, $0x9;
	s4 =	sadd.s32 @!p2 $0x1, s4  }
.Ltmp9:
0xa4: {  	p4 =	por !p4, p2;
	s3 =	sshra.s32 @!p2 s3, $0x2;
	(pc) =	sbr.rel @!p3 .LBB2_10-.Ltmp9, $4  }
0xa5: {  	s4 =	smov.u32 @p2 s9;
	s2 =	simm.s32 @p4 $0x0;
	s5 =	sadd.s32 @!p2 $0x7988, s3  }
0xa6: {  	s2 =	smin.u32 @!p2 s2, $0x1869F0  }
0xa7: {  	s3 =	sand.u32 @!p2 $0x1FFFF8, s2;
	s2 =	sand.u32 @!p2 $0x7, s2  }
0xa8: {  	s31 =	sadd.s32 $0x1, s31;
	s3 =	sadd.s32 @!p2 s1, s3  }
.LBB2_11:
0xa9: {  	[tilespmem:s5], [sflag:$0x2] =	stream.linear.gather @!p2 [hbm4b:s3+s2], $0x80, $0x38;
	[tilespmem:$0x1F6F8] =	vst v63  }
.Ltmp10:
0xaa: {  	s0 =	sshll.u32 s4, $0x7;
	(pc) =	sbr.rel .LBB2_12-.Ltmp10, $4  }
0xab: {  	s30 =	simm.s32 $0x2;
	s0 =	sand.u32 $0x3FFFFF80, s0  }
0xac: {  	_ =	swait.ge [sflag:s30], s0  }
0xad: {  	s0 =	ssub.s32 $0x0, s0;
	[sflag:s30] =	ssyncset.done $0x0  }
0xae: {  	s31 =	simm.s32 $0x0;
	[sflag:s30] =	ssyncadd.s32 s0  }
.LBB2_13:
0xaf: {  	v1 =	vld [tilespmem:s25+$0xFFFFFFC0];
	_ =	sdelay $0x3  }
0xb0: {  	s0 =	sshra.s32 s0, $0x2  }
0xb1: {  	[tilespmem:s0+$0x108] =	vst.add.f32.msk $0xffff, v1  }
0xb2: {  	v1 =	vld [tilespmem:s25+$0xFFFFFFD0];
	_ =	sdelay $0x4  }
0xb3: {  	[tilespmem:s0+$0x118] =	vst.add.f32.msk $0xffff, v1  }
0xb4: {  	v1 =	vld [tilespmem:s25+$0xFFFFFFE0];
	_ =	sdelay $0x4  }
0xb5: {  	[tilespmem:s0+$0x128] =	vst.add.f32.msk $0xffff, v1  }
0xb6: {  	v1 =	vld [tilespmem:s25+$0xFFFFFFF0];
	_ =	sdelay $0x4  }
0xb7: {  	[tilespmem:s0+$0x138] =	vst.add.f32.msk $0xffff, v1  }
0xb8: {  	v1 =	vld [tilespmem:s25+$0x0];
	_ =	sdelay $0x4  }
0xb9: {  	[tilespmem:s0+$0x148] =	vst.add.f32.msk $0xffff, v1  }
0xba: {  	v1 =	vld [tilespmem:s25+$0x10];
	_ =	sdelay $0x4  }
0xbb: {  	[tilespmem:s0+$0x158] =	vst.add.f32.msk $0xffff, v1  }
0xbc: {  	v1 =	vld [tilespmem:s25+$0x20];
	_ =	sdelay $0x4  }
0xbd: {  	[tilespmem:s0+$0x168] =	vst.add.f32.msk $0xffff, v1  }
0xbe: {  	v1 =	vld [tilespmem:s25+$0x30];
	_ =	sdelay $0x4  }
0xbf: {  	[tilespmem:s0+$0x178] =	vst.add.f32.msk $0xffff, v1  }
.LBB2_17:
0xc0: {  	s26 =	sadd.s32 $0x1, s26  }
0xc1: {  	p2 =	seq.s32 s26, $0x0  }
.Ltmp11:
0xc2: {  	_ = 	snop;
	(pc) =	sbr.rel @p2 .LBB2_18-.Ltmp11, $2  }
0xc3: {  	_ =	sdelay $0x2  }
0xc4: {  	s23 =	sadd.s32 $0x1, s23;
	s25 =	sadd.s32 $0x80, s25;
	s29 =	smov.u32 s30  }
.LBB2_12:
0xc5: {  	v1 =	vld.msk [tilespmem:s23+$0x0], $0x1;
	_ =	sdelay $0x4  }
0xc6: {  	(v2sf) =	vpush v1, $0x0;
	_ =	sdelay $0xe  }
0xc7: {  	s30 =	spop (v2sf)  }
0xc8: {  	p2 =	sne.s32 s29, s30  }
.Ltmp12:
0xc9: {  	_ = 	snop;
	(pc) =	sbr.rel @!p2 .LBB2_13-.Ltmp12, $2  }
0xca: {  	_ =	sdelay $0x2  }
0xcb: {  	s0 =	sshll.u32 s22, $0x9  }
0xcc: {  	p2 =	seq.s32 s29, s24  }
.Ltmp13:
0xcd: {  	_ = 	snop;
	(pc) =	sbr.rel @!p2 .LBB2_15-.Ltmp13, $1  }
0xce: {  	_ =	sdelay $0x3  }
0xcf: {  	s0 =	sshra.s32 s0, $0x2  }
.Ltmp14:
0xd0: {  	s0 =	sadd.s32 $0x108, s0;
	(pc) =	sbr.rel .LBB2_16-.Ltmp14, $4  }
0xd1: {  	[spmem:s16] =	stream.linear.scatter [tilespmem:s0], [sflag:$0x1], $0x80, $0x38;
	[tilespmem:$0x1F6F8] =	vst v63  }
0xd2: {  	_ =	swait.ge [sflag:s12], $0x80  }
0xd3: {  	[sflag:s12] =	ssyncset.done $0x0  }
0xd4: {  	[sflag:s12] =	ssyncadd.s32 $0xFFFFFF80  }
.LBB2_15:
0xd5: {  	s2 =	sshll.u32 s28, $0x9  }
0xd6: {  	s2 =	sshra.s32 s2, $0x2  }
0xd7: {  	v1 =	vld [tilespmem:s2+$0x7988];
	_ =	sdelay $0x3  }
0xd8: {  	s0 =	sshra.s32 s0, $0x2  }
0xd9: {  	[tilespmem:s0+$0x108] =	vst.add.f32.msk $0xffff, v1  }
0xda: {  	v1 =	vld [tilespmem:s2+$0x7998];
	_ =	sdelay $0x4  }
0xdb: {  	[tilespmem:s0+$0x118] =	vst.add.f32.msk $0xffff, v1  }
0xdc: {  	v1 =	vld [tilespmem:s2+$0x79A8];
	_ =	sdelay $0x4  }
0xdd: {  	[tilespmem:s0+$0x128] =	vst.add.f32.msk $0xffff, v1  }
0xde: {  	v1 =	vld [tilespmem:s2+$0x79B8];
	_ =	sdelay $0x4  }
0xdf: {  	[tilespmem:s0+$0x138] =	vst.add.f32.msk $0xffff, v1  }
0xe0: {  	v1 =	vld [tilespmem:s2+$0x79C8];
	_ =	sdelay $0x4  }
0xe1: {  	[tilespmem:s0+$0x148] =	vst.add.f32.msk $0xffff, v1  }
0xe2: {  	v1 =	vld [tilespmem:s2+$0x79D8];
	_ =	sdelay $0x4  }
0xe3: {  	[tilespmem:s0+$0x158] =	vst.add.f32.msk $0xffff, v1  }
0xe4: {  	v1 =	vld [tilespmem:s2+$0x79E8];
	_ =	sdelay $0x4  }
0xe5: {  	[tilespmem:s0+$0x168] =	vst.add.f32.msk $0xffff, v1  }
0xe6: {  	v1 =	vld [tilespmem:s2+$0x79F8];
	_ =	sdelay $0x2  }
0xe7: {  	p2 =	sgt.u32 s29, $0x1869F0  }
0xe8: {  	s2 =	sand.u32 @!p2 $0x1FFFF8, s29  }
0xe9: {  	s3 =	sadd.s32 $0x108, s0;
	[tilespmem:s0+$0x178] =	vst.add.f32.msk $0xffff, v1;
	s0 =	sadd.s32 @!p2 s1, s2;
	s2 =	sand.u32 @!p2 $0x7, s29  }
0xea: {  	[hbm4b:s0+s2] =	stream.linear.scatter @!p2 [tilespmem:s3], [sflag:$0xC], $0x80, $0x38;
	[tilespmem:$0x1F6F8] =	vst v63  }
0xeb: {  	s0 =	simm.s32 $0x0  }
0xec: {  	s0 =	simm.s32 @!p2 $0x200  }
0xed: {  	s31 =	sadd.s32 s0, s31  }
.LBB2_16:
0xee: {  	s0 =	sadd.s32 $0x1, s22  }
0xef: {  	s2 =	smulhi.u32 $0x88888889, s0;
	_ =	sdelay $0x1  }
0xf0: {  	v1 =	vld [tilespmem:s25+$0xFFFFFFC0];
	s2 =	sshrl.u32 s2, $0x7  }
0xf1: {  	s2 =	smul.u32 $0xF0, s2;
	_ =	sdelay $0x1  }
0xf2: {  	s22 =	ssub.s32 s0, s2  }
0xf3: {  	s0 =	sshll.u32 s22, $0x7  }
0xf4: {  	[tilespmem:s0+$0x108] =	vst v1  }
0xf5: {  	v1 =	vld [tilespmem:s25+$0xFFFFFFD0];
	_ =	sdelay $0x4  }
0xf6: {  	[tilespmem:s0+$0x118] =	vst v1  }
0xf7: {  	v1 =	vld [tilespmem:s25+$0xFFFFFFE0];
	_ =	sdelay $0x4  }
0xf8: {  	[tilespmem:s0+$0x128] =	vst v1  }
0xf9: {  	v1 =	vld [tilespmem:s25+$0xFFFFFFF0];
	_ =	sdelay $0x4  }
0xfa: {  	[tilespmem:s0+$0x138] =	vst v1  }
0xfb: {  	v1 =	vld [tilespmem:s25+$0x0];
	_ =	sdelay $0x4  }
0xfc: {  	[tilespmem:s0+$0x148] =	vst v1  }
0xfd: {  	v1 =	vld [tilespmem:s25+$0x10];
	_ =	sdelay $0x4  }
0xfe: {  	[tilespmem:s0+$0x158] =	vst v1  }
0xff: {  	v1 =	vld [tilespmem:s25+$0x20];
	_ =	sdelay $0x4  }
0x100: {  	[tilespmem:s0+$0x168] =	vst v1  }
0x101: {  	v1 =	vld [tilespmem:s25+$0x30]  }
.Ltmp15:
0x102: {  	_ = 	snop;
	(pc) =	sbr.rel .LBB2_17-.Ltmp15, $2  }
0x103: {  	_ =	sdelay $0x2  }
0x104: {  	s28 =	sadd.s32 $0x1, s28;
	[tilespmem:s0+$0x178] =	vst v1  }
.LBB2_19:
.Ltmp16:
0x105: {  	(pc) =	sbr.rel .LBB2_20-.Ltmp16, $4  }
0x106: {  	_ = 	snop  }
0x107: {  	s0 =	simm.s32 $0x2  }
0x108: {  	_ =	swait.ge [sflag:s0], $0x0  }
0x109: {  	s30 =	smov.u32 s29;
	[sflag:s0] =	ssyncset.done $0x0;
	s0 =	simm.s32 $0x0  }
.LBB2_22:
0x10a: {  	_ =	sfence.sel $0x180000  }
0x10b: {  	s0 =	simm.s32 $0x9;
	[bflag:$0x0] =	sbarrier.arrive $0xFFFF  }
0x10c: {  	s24 =	simm.s32 $0xA;
	[sflag:s0] =	ssyncpa.u1 $0x1  }
0x10d: {  	s25 =	simm.s32 $0xB;
	[sflag:s24] =	ssyncpa.u1 $0x1  }
0x10e: {  	s26 =	simm.s32 $0x2;
	[sflag:s25] =	ssyncpa.u1 $0x1  }
0x10f: {  	[sflag:s26] =	ssyncpa.u1 $0x1  }
0x110: {  	v0 =	vld [tilespmem:$0xF208];
	_ =	sdelay $0x4  }
0x111: {  	(v2sf) =	vpush v0, $0x0  }
0x112: {  	(v2sf) =	vpush v0, $0x1;
	_ =	sdelay $0x1  }
0x113: {  	(v2sf) =	vpush v0, $0x2;
	_ =	sdelay $0xb  }
0x114: {  	s0 =	spop (v2sf)  }
0x115: {  	s2 =	spop (v2sf)  }
0x116: {  	s3 =	smov.u32 s0;
	p1 =	sne.s32 s0, s2  }
0x117: {  	s4 =	spop (v2sf);
	s3 =	simm.s32 @!p1 $0xFFFFFFFF  }
0x118: {  	v2 =	vimm.s32 $0x1;
	v3 =	vlaneseq.u32;
	p1 =	seq.s32 s4, $0xFFFFFFFF;
	v1 =	vmov s3  }
0x119: {  	s16 =	stileid.u32;
	v0 =	vperm.xlane v0, v2;
	p2 =	sne.s32 @!p1 s0, s2;
	v1 =	vperm.xlane v1, v3  }
0x11a: {  	vm0 =	vcmask $0x3F04;
	s6 =	simm.s32 $0xF208;
	s0 =	simm.s32 @!p1 $0x1;
	p2 =	por !p2, p1  }
0x11b: {  	s3 =	sshll.u32 s16, $0x1;
	s2 =	sshll.u32 @!p1 s4, $0x9;
	s0 =	simm.s32 @p2 $0x0;
	v0 =	vsel vm0, v1, v0  }
0x11c: {  	s5 =	sor.u32 $0x1000, s3;
	s2 =	sshra.s32 @!p1 s2, $0x2;
	s0 =	sor.u32 @!p1 s0, s3;
	[tilespmem:$0xF208] =	vst v0  }
0x11d: {  	[spmem:s5] =	stream.linear.scatter [tilespmem:s6], [sflag:$0x1], $0x2, $0x38;
	[tilespmem:$0x1F6F8] =	vst v63  }
0x11e: {  	s2 =	sadd.s32 @!p1 $0x108, s2;
	s0 =	sshll.u32 @!p1 s0, $0x7  }
0x11f: {  	[spmem:s0] =	stream.linear.scatter @!p1 [tilespmem:s2], [sflag:$0x1], $0x80, $0x38;
	[tilespmem:$0x1F6F8] =	vst v63  }
0x120: {  	s0 =	simm.s32 @!p1 $0x82  }
0x121: {  	s28 =	simm.s32 $0x1;
	s0 =	simm.s32 @p1 $0x2  }
0x122: {  	_ =	swait.ge [sflag:s28], s0  }
0x123: {  	s0 =	ssub.s32 $0x0, s0;
	[sflag:s28] =	ssyncset.done $0x0  }
0x124: {  	[sflag:s28] =	ssyncadd.s32 s0  }
.Ltmp17:
0x125: {  	_ =	sfence.stream.spmem;
	(pc) =	sbr.rel @p0 .LBB2_39-.Ltmp17, $4  }
0x126: {  	s29 =	simm.s32 $0x3;
	[bflag:$0x0] =	sbarrier.arrive $0xFFFF  }
0x127: {  	s30 =	simm.s32 $0x4;
	[sflag:s29] =	ssyncpa.u1 $0x1  }
0x128: {  	s31 =	simm.s32 $0x3C;
	[sflag:s30] =	ssyncpa.u1 $0x1  }
0x129: {  	s15 =	rddreg [dreg:$0x5];
	[sflag:s31] =	ssyncpa.u1 $0x1  }
0x12a: {  	_ =	sfence.stream.spmem;
	s0 =	simm.s32 $0x5  }
0x12b: {  	s2 =	simm.s32 $0x1000;
	s3 =	simm.s32 $0xF218;
	[sflag:s0] =	ssyncpa.u1 $0x0  }
0x12c: {  	[tilespmem:s3], [sflag:$0x5] =	stream.linear.gather [spmem:s2], $0x20, $0x38;
	[tilespmem:$0x1F6F8] =	vst v63  }
0x12d: {  	s26 =	simm.s32 $0x0;
	s28 =	simm.s32 $0xF238  }
0x12e: {  	[tilespmem:s28], [sflag:$0x5] =	stream.linear.gather [spmem:s26], $0x1000, $0x38;
	[tilespmem:$0x1F6F8] =	vst v63  }
0x12f: {  	_ =	swait.ge [sflag:s0], $0x1020  }
0x130: {  	[sflag:s0] =	ssyncset.done $0x0  }
0x131: {  	s29 =	simm.s32 $0x0;
	[sflag:s0] =	ssyncadd.s32 $0xFFFFEFE0  }
0x132: {  	v0 =	vld.msk [tilespmem:s29+$0xF218], $0x1;
	_ =	sdelay $0x1  }
0x133: {  	s30 =	simm.s32 $0x1  }
0x134: {  	v1 =	vld.msk [tilespmem:s30+$0xF218], $0x1;
	_ =	sdelay $0x1  }
0x135: {  	(v2sf) =	vpush v0, $0x0;
	_ =	sdelay $0x2  }
0x136: {  	(v2sf) =	vpush v1, $0x0;
	_ =	sdelay $0x2  }
0x137: {  	s31 =	simm.s32 $0x2  }
0x138: {  	v0 =	vld.msk [tilespmem:s31+$0xF218], $0x1;
	_ =	sdelay $0x2  }
0x139: {  	s4 =	simm.s32 $0xFFFFFFFF;
	s5 =	simm.s32 $0xFFFFFFFF;
	s0 =	simm.s32 $0xC  }
.LBB2_24:
0x13a: {  	s2 =	smov.u32 s5;
	s3 =	smov.u32 s4  }
0x13b: {  	s4 =	sshra.s32 s0, $0x2;
	p1 =	sne.s32 s0, $0x7C;
	s0 =	sadd.s32 $0x4, s0;
	(v2sf) =	vpush v0, $0x0  }
0x13c: {  	v0 =	vld.msk [tilespmem:s4+$0xF218], $0x1  }
.Ltmp18:
0x13d: {  	(pc) =	sbr.rel @p1 .LBB2_24-.Ltmp18, $4  }
0x13e: {  	s5 =	spop (v2sf)  }
0x13f: {  	p2 =	sne.s32 s3, $0xFFFFFFFF;
	s4 =	smov.u32 s5  }
0x140: {  	p3 =	seq.s32 s5, $0xFFFFFFFF;
	s4 =	smov.u32 @p2 s3  }
0x141: {  	s5 =	smov.u32 @p3 s2;
	s4 =	smov.u32 @p3 s3  }
0x142: {  	(v2sf) =	vpush v0, $0x0;
	_ =	sdelay $0x8  }
0x143: {  	s0 =	spop (v2sf)  }
0x144: {  	p1 =	sne.s32 s4, $0xFFFFFFFF;
	s2 =	smov.u32 s0  }
0x145: {  	s9 =	simm.s32 $0x6;
	p2 =	seq.s32 s0, $0xFFFFFFFF;
	s2 =	smov.u32 @p1 s4  }
0x146: {  	s6 =	simm.s32 $0x0;
	s2 =	smov.u32 @p2 s4;
	s3 =	spop (v2sf)  }
0x147: {  	s0 =	smov.u32 @p2 s5;
	p1 =	sne.s32 s2, $0xFFFFFFFF;
	s4 =	smov.u32 s3  }
.Ltmp19:
0x148: {  	p2 =	seq.s32 s3, $0xFFFFFFFF;
	s4 =	smov.u32 @p1 s2;
	(pc) =	sbr.rel .LBB2_26-.Ltmp19, $4  }
0x149: {  	s10 =	simm.s32 $0xF188;
	s4 =	smov.u32 @p2 s2;
	s7 =	spop (v2sf)  }
0x14a: {  	s11 =	simm.s32 $0x0;
	p1 =	sne.s32 s4, $0xFFFFFFFF;
	s8 =	smov.u32 s7  }
0x14b: {  	s3 =	smov.u32 @p2 s0;
	p2 =	seq.s32 s7, $0xFFFFFFFF;
	s8 =	smov.u32 @p1 s4  }
0x14c: {  	[sflag:s9] =	ssyncpa.u1 $0x0;
	s7 =	smov.u32 @p2 s3;
	s8 =	smov.u32 @p2 s4  }
.LBB2_32:
0x14d: {  	p1 =	sgt.u32 s12, $0x1869F0  }
0x14e: {  	p2 =	seq.s32 @!p1 s12, s8  }
0x14f: {  	p1 =	por p1, p2  }
0x150: {  	p2 =	sne.s32 @!p1 s12, s7  }
0x151: {  	p1 =	por p1, !p2  }
0x152: {  	s0 =	sshll.u32 @p1 s11, $0x9  }
0x153: {  	s0 =	sand.u32 @!p1 $0x1FFFF8, s12  }
0x154: {  	s2 =	sand.u32 @!p1 $0x7, s12;
	s0 =	sadd.s32 @!p1 s1, s0  }
0x155: {  	[tilespmem:s10], [sflag:$0x6] =	stream.linear.gather @!p1 [hbm4b:s0+s2], $0x80, $0x38;
	[tilespmem:$0x1F6F8] =	vst v63  }
0x156: {  	_ =	swait.ge @!p1 [sflag:s9], $0x80  }
0x157: {  	[sflag:s9] =	ssyncset.done @!p1 $0x0  }
0x158: {  	[sflag:s9] =	ssyncadd.s32 @!p1 $0xFFFFFF80  }
0x159: {  	v1 =	vld @!p1 [tilespmem:$0xF188];
	_ =	sdelay $0x2  }
0x15a: {  	s0 =	sshll.u32 @!p1 s11, $0x9  }
0x15b: {  	s2 =	sshrl.u32 @!p1 s0, $0x2  }
0x15c: {  	[tilespmem:s2+$0xF238] =	vst.add.f32.msk @!p1 $0xffff, v1  }
0x15d: {  	v1 =	vld @!p1 [tilespmem:$0xF198];
	_ =	sdelay $0x4  }
0x15e: {  	[tilespmem:s2+$0xF248] =	vst.add.f32.msk @!p1 $0xffff, v1  }
0x15f: {  	v1 =	vld @!p1 [tilespmem:$0xF1A8];
	_ =	sdelay $0x4  }
0x160: {  	[tilespmem:s2+$0xF258] =	vst.add.f32.msk @!p1 $0xffff, v1  }
0x161: {  	v1 =	vld @!p1 [tilespmem:$0xF1B8];
	_ =	sdelay $0x4  }
0x162: {  	[tilespmem:s2+$0xF268] =	vst.add.f32.msk @!p1 $0xffff, v1  }
0x163: {  	v1 =	vld @!p1 [tilespmem:$0xF1C8];
	_ =	sdelay $0x4  }
0x164: {  	[tilespmem:s2+$0xF278] =	vst.add.f32.msk @!p1 $0xffff, v1  }
0x165: {  	v1 =	vld @!p1 [tilespmem:$0xF1D8];
	_ =	sdelay $0x4  }
0x166: {  	[tilespmem:s2+$0xF288] =	vst.add.f32.msk @!p1 $0xffff, v1  }
0x167: {  	v1 =	vld @!p1 [tilespmem:$0xF1E8];
	_ =	sdelay $0x4  }
0x168: {  	[tilespmem:s2+$0xF298] =	vst.add.f32.msk @!p1 $0xffff, v1  }
0x169: {  	v1 =	vld @!p1 [tilespmem:$0xF1F8];
	_ =	sdelay $0x4  }
0x16a: {  	[tilespmem:s2+$0xF2A8] =	vst.add.f32.msk @!p1 $0xffff, v1  }
0x16b: {  	s0 =	sshrl.u32 s0, $0x2;
	[tilespmem:s6+$0xF218] =	vst.msk $0x1, v0  }
0x16c: {  	v0 =	vld [tilespmem:s0+$0xF238];
	_ =	sdelay $0x2  }
0x16d: {  	s31 =	sshll.u32 s6, $0x9  }
0x16e: {  	s2 =	sshra.s32 s31, $0x2  }
0x16f: {  	[tilespmem:s2+$0xF238] =	vst v0  }
0x170: {  	v0 =	vld [tilespmem:s0+$0xF248];
	_ =	sdelay $0x4  }
0x171: {  	[tilespmem:s2+$0xF248] =	vst v0  }
0x172: {  	v0 =	vld [tilespmem:s0+$0xF258];
	_ =	sdelay $0x4  }
0x173: {  	[tilespmem:s2+$0xF258] =	vst v0  }
0x174: {  	v0 =	vld [tilespmem:s0+$0xF268];
	_ =	sdelay $0x4  }
0x175: {  	[tilespmem:s2+$0xF268] =	vst v0  }
0x176: {  	v0 =	vld [tilespmem:s0+$0xF278];
	_ =	sdelay $0x4  }
0x177: {  	[tilespmem:s2+$0xF278] =	vst v0  }
0x178: {  	v0 =	vld [tilespmem:s0+$0xF288];
	_ =	sdelay $0x4  }
0x179: {  	[tilespmem:s2+$0xF288] =	vst v0  }
0x17a: {  	v0 =	vld [tilespmem:s0+$0xF298];
	_ =	sdelay $0x4  }
0x17b: {  	[tilespmem:s2+$0xF298] =	vst v0  }
0x17c: {  	v0 =	vld [tilespmem:s0+$0xF2A8];
	_ =	sdelay $0x4  }
0x17d: {  	s6 =	sadd.s32 $0x1, s6;
	[tilespmem:s2+$0xF2A8] =	vst v0  }
.LBB2_33:
0x17e: {  	s11 =	sadd.s32 $0x1, s11  }
0x17f: {  	p1 =	sne.s32 s11, $0x20  }
.Ltmp20:
0x180: {  	_ = 	snop;
	(pc) =	sbr.rel @!p1 .LBB2_34-.Ltmp20, $1  }
0x181: {  	_ =	sdelay $0x3  }
.LBB2_26:
0x182: {  	v0 =	vld.msk [tilespmem:s11+$0xF218], $0x1;
	_ =	sdelay $0x4  }
0x183: {  	(v2sf) =	vpush v0, $0x0;
	_ =	sdelay $0xe  }
0x184: {  	s12 =	spop (v2sf)  }
0x185: {  	p1 =	seq.s32 s12, $0xFFFFFFFF  }
.Ltmp21:
0x186: {  	_ = 	snop;
	(pc) =	sbr.rel @p1 .LBB2_33-.Ltmp21, $1  }
0x187: {  	_ =	sdelay $0x3  }
0x188: {  	p1 =	slt.s32 s6, $0x1  }
.Ltmp22:
0x189: {  	_ = 	snop;
	(pc) =	sbr.rel @p1 .LBB2_32-.Ltmp22, $1  }
0x18a: {  	_ =	sdelay $0x3  }
0x18b: {  	s13 =	simm.s32 $0xF218;
	p1 =	por $0x0, $0x0  }
0x18c: {  	v1 =	vld.msk @!p1 [tilespmem:s13+$0x0], $0x1;
	_ =	sdelay $0x4  }
0x18d: {  	(v2sf) =	vpush @!p1 v1, $0x0;
	_ =	sdelay $0xd  }
0x18e: {  	p3 =	sne.s32 s6, $0x1  }
.Ltmp23:
0x18f: {  	s0 =	spop @!p1 (v2sf);
	(pc) =	sbr.rel @!p3 .LBB2_30-.Ltmp23, $4  }
0x190: {  	p2 =	seq.s32 @!p1 s12, s0  }
0x191: {  	s14 =	simm.s32 $0x0;
	p2 =	por !p2, p1  }
0x192: {  	s2 =	simm.s32 $0xFFFFFFFF;
	s14 =	simm.s32 @p2 $0xFFFFFFFF  }
0x193: {  	s0 =	simm.s32 $0x1;
	s14 =	smov.u32 @p1 s2  }
.LBB2_29:
0x194: {  	s2 =	smov.u32 s14;
	p1 =	sne.s32 s14, $0xFFFFFFFF  }
0x195: {  	s13 =	sadd.s32 $0x1, s13;
	s14 =	smov.u32 s0;
	s0 =	sadd.s32 $0x1, s0  }
0x196: {  	p2 =	sne.s32 s6, s0;
	v1 =	vld.msk @!p1 [tilespmem:s13+$0x0], $0x1;
	_ =	sdelay $0x4  }
0x197: {  	(v2sf) =	vpush @!p1 v1, $0x0;
	_ =	sdelay $0xe  }
.Ltmp24:
0x198: {  	s3 =	spop @!p1 (v2sf);
	(pc) =	sbr.rel @p2 .LBB2_29-.Ltmp24, $4  }
0x199: {  	p3 =	seq.s32 @!p1 s12, s3  }
0x19a: {  	p3 =	por !p3, p1  }
0x19b: {  	s14 =	simm.s32 @p3 $0xFFFFFFFF  }
0x19c: {  	s14 =	smov.u32 @p1 s2  }
.LBB2_30:
0x19d: {  	p1 =	seq.s32 s14, $0xFFFFFFFF  }
.Ltmp25:
0x19e: {  	_ = 	snop;
	(pc) =	sbr.rel @p1 .LBB2_32-.Ltmp25, $1  }
0x19f: {  	_ =	sdelay $0x3  }
0x1a0: {  	s0 =	sshll.u32 s11, $0x7  }
0x1a1: {  	s0 =	sand.u32 $0x3FFFFF80, s0  }
0x1a2: {  	v0 =	vld [tilespmem:s0+$0xF238];
	_ =	sdelay $0x2  }
0x1a3: {  	s2 =	sshll.u32 s14, $0x9  }
0x1a4: {  	s2 =	sshra.s32 s2, $0x2  }
0x1a5: {  	[tilespmem:s2+$0xF238] =	vst.add.f32.msk $0xffff, v0  }
0x1a6: {  	v0 =	vld [tilespmem:s0+$0xF248];
	_ =	sdelay $0x4  }
0x1a7: {  	[tilespmem:s2+$0xF248] =	vst.add.f32.msk $0xffff, v0  }
0x1a8: {  	v0 =	vld [tilespmem:s0+$0xF258];
	_ =	sdelay $0x4  }
0x1a9: {  	[tilespmem:s2+$0xF258] =	vst.add.f32.msk $0xffff, v0  }
0x1aa: {  	v0 =	vld [tilespmem:s0+$0xF268];
	_ =	sdelay $0x4  }
0x1ab: {  	[tilespmem:s2+$0xF268] =	vst.add.f32.msk $0xffff, v0  }
0x1ac: {  	v0 =	vld [tilespmem:s0+$0xF278];
	_ =	sdelay $0x4  }
0x1ad: {  	[tilespmem:s2+$0xF278] =	vst.add.f32.msk $0xffff, v0  }
0x1ae: {  	v0 =	vld [tilespmem:s0+$0xF288];
	_ =	sdelay $0x4  }
0x1af: {  	[tilespmem:s2+$0xF288] =	vst.add.f32.msk $0xffff, v0  }
0x1b0: {  	v0 =	vld [tilespmem:s0+$0xF298];
	_ =	sdelay $0x4  }
0x1b1: {  	[tilespmem:s2+$0xF298] =	vst.add.f32.msk $0xffff, v0  }
0x1b2: {  	v0 =	vld [tilespmem:s0+$0xF2A8]  }
.Ltmp26:
0x1b3: {  	_ = 	snop;
	(pc) =	sbr.rel .LBB2_33-.Ltmp26, $2  }
0x1b4: {  	_ =	sdelay $0x2  }
0x1b5: {  	[tilespmem:s2+$0xF2A8] =	vst.add.f32.msk $0xffff, v0  }
.LBB2_34:
0x1b6: {  	s0 =	simm.s32 $0x6;
	p1 =	seq.s32 s6, $0x0  }
0x1b7: {  	[sflag:s0] =	ssyncpa.u1 $0x1;
	v0 =	vimm.s32 @p1 $0xFFFFFFFF  }
0x1b8: {  	s9 =	sadd.s32 $0xFFFFFFFF, s6;
	[tilespmem:$0x10238] =	vst @p1 v0  }
0x1b9: {  	v0 =	vld.msk @!p1 [tilespmem:s9+$0xF218], $0x1;
	_ =	sdelay $0x1  }
0x1ba: {  	v1 =	vld.msk @!p1 [tilespmem:$0xF218], $0x1;
	_ =	sdelay $0x2  }
0x1bb: {  	p2 =	seq.s32 @!p1 s9, $0x0;
	v0 =	vbroadcast @!p1 v0, $0x0  }
0x1bc: {  	vm0 =	vmmov @!p1 $0x1;
	p2 =	por !p2, p1  }
0x1bd: {  	v1 =	vnsel @!p1 vm0, $0xFFFFFFFF, v1;
	vm0 =	vcmask @!p1 $0x308;
	v0 =	vpsel !p2, $0xFFFFFFFF, v0  }
0x1be: {  	p2 =	sne.s32 @!p1 s8, s7;
	v0 =	vsel @!p1 vm0, v1, v0  }
0x1bf: {  	s0 =	simm.s32 @!p1 $0xF238;
	s2 =	simm.s32 @!p1 $0x0;
	p3 =	por !p2, p1;
	[tilespmem:$0x10238] =	vst @!p1 v0  }
0x1c0: {  	[spmem:s2] =	stream.linear.scatter @!p1 [tilespmem:s0], [sflag:$0x1], $0x80, $0x38;
	[tilespmem:$0x1F6F8] =	vst v63  }
0x1c1: {  	s0 =	sshll.u32 @!p3 s9, $0x9  }
0x1c2: {  	s0 =	sshra.s32 @!p3 s0, $0x2  }
0x1c3: {  	s2 =	simm.s32 @!p3 $0x80;
	s0 =	sadd.s32 @!p3 $0xF238, s0  }
0x1c4: {  	[spmem:s2] =	stream.linear.scatter @!p3 [tilespmem:s0], [sflag:$0x1], $0x80, $0x38;
	[tilespmem:$0x1F6F8] =	vst v63  }
0x1c5: {  	s0 =	simm.s32 @!p3 $0x1  }
0x1c6: {  	_ =	swait.ge @!p3 [sflag:s0], $0x100  }
0x1c7: {  	p1 =	por p2, p1;
	[sflag:s0] =	ssyncset.done @!p3 $0x0  }
0x1c8: {  	[sflag:s0] =	ssyncadd.s32 @!p3 $0xFFFFFF00;
	s0 =	simm.s32 @!p1 $0x1  }
0x1c9: {  	_ =	swait.ge @!p1 [sflag:s0], $0x80  }
0x1ca: {  	s29 =	simm.s32 $0x10238;
	[sflag:s0] =	ssyncset.done @!p1 $0x0  }
0x1cb: {  	s30 =	simm.s32 $0x1000;
	s31 =	simm.s32 $0x1;
	[sflag:s0] =	ssyncadd.s32 @!p1 $0xFFFFFF80  }
0x1cc: {  	[spmem:s30] =	stream.linear.scatter [tilespmem:s29], [sflag:$0x1], $0x10, $0x38;
	[tilespmem:$0x1F6F8] =	vst v63  }
0x1cd: {  	_ =	swait.ge [sflag:s31], $0x10  }
0x1ce: {  	[sflag:s31] =	ssyncset.done $0x0  }
0x1cf: {  	p1 =	seq.s32 s15, $0x0;
	s8 =	rddreg [dreg:$0x2];
	[sflag:s31] =	ssyncadd.s32 $0xFFFFFFF0  }
0x1d0: {  	s2 =	sshll.u32 @p1 s8, $0xE;
	s7 =	rddreg [dreg:$0x3]  }
0x1d1: {  	s0 =	sadd.s32 @p1 $0x15C3C, s2;
	s2 =	sshll.u32 @p1 s7, $0x11  }
0x1d2: {  	_ =	sfence.stream.spmem;
	s0 =	sor.u32 @p1 s2, s0  }
0x1d3: {  	[sflag:s0] =	ssyncadd.remote.s32 @p1 $0x1;
	s0 =	simm.s32 @p1 $0x4  }
0x1d4: {  	s3 =	simm.s32 @!p1 $0x3C;
	s2 =	sand.u32 $0xFFFFFFFE, s8;
	_ =	swait.ge @p1 [sflag:s0], $0x22  }
0x1d5: {  	s4 =	simm.s32 @!p1 $0x0;
	s2 =	sadd.s32 @!p1 $0x4, s2;
	[sflag:s0] =	ssyncset.done @p1 $0x0  }
0x1d6: {  	s5 =	simm.s32 @!p1 $0x100;
	[sflag:s0] =	ssyncadd.s32 @p1 $0xFFFFFFDE;
	s0 =	sshll.u32 @!p1 s2, $0x1A  }
0x1d7: {  	s2 =	sshll.u32 @!p1 s2, $0xD;
	s0 =	sor.u32 @!p1 s0, s7;
	_ =	swait.eq @!p1 [sflag:s3], $0x1  }
0x1d8: {  	s2 =	sor.u32 @!p1 $0x1C04, s2;
	s3 =	simm.s32 @!p1 $0x1C03;
	s0 =	sor.u32 @!p1 $0x80004000, s0  }
0x1d9: {  	[spmem:s5], [sflag:s2] =	dma.general @!p1 [spmem:s4], [sflag:s3], length:$0x20, [dreg:$0x0], stride_count:$0x0, ici_dest:s0, dma_misc:DstOpCode:WRITE  }
0x1da: {  	p2 =	slt.s32 s9, $0x2;
	s4 =	simm.s32 @!p1 $0x200;
	s5 =	simm.s32 @!p1 $0x202  }
0x1db: {  	[spmem:s5], [sflag:s2] =	dma.general @!p1 [spmem:s4], [sflag:s3], length:$0x2, [dreg:$0x0], stride_count:$0x0, ici_dest:s0, dma_misc:DstOpCode:WRITE  }
.Ltmp27:
0x1dc: {  	s0 =	simm.s32 @!p1 $0x3;
	(pc) =	sbr.rel @p2 .LBB2_38-.Ltmp27, $4  }
0x1dd: {  	s2 =	sshll.u32 @!p1 s8, $0xE;
	_ =	swait.ge @!p1 [sflag:s0], $0x22  }
0x1de: {  	s3 =	sshll.u32 @!p1 s7, $0x11;
	s2 =	sadd.s32 @!p1 $0x11C3C, s2;
	[sflag:s0] =	ssyncset.done @!p1 $0x0  }
0x1df: {  	[sflag:s0] =	ssyncadd.s32 @!p1 $0xFFFFFFDE;
	s0 =	sor.u32 @!p1 s3, s2  }
0x1e0: {  	[sflag:s0] =	ssyncadd.remote.s32 @!p1 $0xFFFFFFFF;
	s0 =	simm.s32 $0x0  }
0x1e1: {  	s0 =	simm.s32 $0xF219  }
0x1e2: {  	v0 =	vld.msk [tilespmem:s0+$0x0], $0x1;
	_ =	sdelay $0x4  }
0x1e3: {  	(v2sf) =	vpush v0, $0x0;
	_ =	sdelay $0xb  }
0x1e4: {  	s31 =	sadd.s32 $0xFFFFFFFE, s6  }
0x1e5: {  	s0 =	sadd.s32 $0xFFFFFFFF, s31  }
0x1e6: {  	p2 =	sne.s32 s0, $0x0  }
.Ltmp28:
0x1e7: {  	s2 =	spop (v2sf);
	(pc) =	sbr.rel @!p2 .LBB2_37-.Ltmp28, $4  }
0x1e8: {  	s4 =	simm.s32 $0xF2B8;
	s7 =	simm.s32 $0x0;
	p1 =	sgt.u32 s2, $0x1869F0  }
0x1e9: {  	s5 =	simm.s32 $0x0;
	s6 =	simm.s32 $0xF21A;
	s3 =	sand.u32 @!p1 $0x1FFFF8, s2  }
0x1ea: {  	s2 =	sand.u32 @!p1 $0x7, s2;
	s7 =	simm.s32 @!p1 $0x200;
	s3 =	sadd.s32 @!p1 s1, s3  }
0x1eb: {  	[hbm4b:s3+s2] =	stream.linear.scatter @!p1 [tilespmem:s4], [sflag:$0x5], $0x80, $0x38;
	[tilespmem:$0x1F6F8] =	vst v63  }
.LBB2_36:
0x1ec: {  	v0 =	vld.msk [tilespmem:s6+$0x0], $0x1;
	s0 =	sadd.s32 $0xFFFFFFFF, s0;
	s5 =	sadd.s32 s5, s7  }
0x1ed: {  	p1 =	sne.s32 s0, $0x0;
	_ =	sdelay $0x3  }
0x1ee: {  	(v2sf) =	vpush v0, $0x0;
	_ =	sdelay $0xe  }
.Ltmp29:
0x1ef: {  	s2 =	spop (v2sf);
	(pc) =	sbr.rel @p1 .LBB2_36-.Ltmp29, $4  }
0x1f0: {  	s7 =	simm.s32 $0x0;
	p2 =	sgt.u32 s2, $0x1869F0  }
0x1f1: {  	s4 =	sadd.s32 $0x80, s4;
	s7 =	simm.s32 @!p2 $0x200;
	s3 =	sand.u32 @!p2 $0x1FFFF8, s2  }
0x1f2: {  	s6 =	sadd.s32 $0x1, s6;
	s2 =	sand.u32 @!p2 $0x7, s2;
	s3 =	sadd.s32 @!p2 s1, s3  }
0x1f3: {  	[hbm4b:s3+s2] =	stream.linear.scatter @!p2 [tilespmem:s4], [sflag:$0x5], $0x80, $0x38;
	[tilespmem:$0x1F6F8] =	vst v63  }
.LBB2_37:
0x1f4: {  	s0 =	sadd.s32 s5, s7  }
0x1f5: {  	s0 =	sshrl.u32 s0, $0x2  }
.LBB2_38:
0x1f6: {  	s2 =	simm.s32 $0x5  }
0x1f7: {  	_ =	swait.ge [sflag:s2], s0  }
0x1f8: {  	s31 =	ssub.s32 $0x0, s0;
	[sflag:s2] =	ssyncset.done $0x0  }
0x1f9: {  	[sflag:s2] =	ssyncadd.s32 s31  }
0x1fa: {  	[sflag:s2] =	ssyncpa.u1 $0x1  }
.LBB2_39:
0x1fb: {  	s0 =	sor.u32 s15, s16  }
0x1fc: {  	p1 =	sne.s32 s0, $0x0  }
.Ltmp30:
0x1fd: {  	_ = 	snop;
	(pc) =	sbr.rel @p1 .LBB2_54-.Ltmp30, $3  }
0x1fe: {  	_ =	sdelay $0x1  }
0x1ff: {  	[bflag:$0x0] =	sbarrier.arrive $0xFFFF  }
0x200: {  	_ =	sfence  }
0x201: {  	s0 =	simm.s32 $0x7  }
0x202: {  	s2 =	simm.s32 $0x1000;
	s3 =	simm.s32 $0xF218;
	[sflag:s0] =	ssyncpa.u1 $0x0  }
0x203: {  	[tilespmem:s3], [sflag:$0x7] =	stream.linear.gather [spmem:s2], $0x20, $0x38;
	[tilespmem:$0x1F6F8] =	vst v63  }
0x204: {  	s30 =	simm.s32 $0xF238;
	s2 =	simm.s32 $0x0  }
0x205: {  	[tilespmem:s30], [sflag:$0x7] =	stream.linear.gather [spmem:s2], $0x1000, $0x38;
	[tilespmem:$0x1F6F8] =	vst v63  }
.Ltmp31:
0x206: {  	_ = 	snop;
	(pc) =	sbr.rel .LBB2_41-.Ltmp31, $4  }
0x207: {  	_ =	swait.ge [sflag:s0], $0x1020  }
0x208: {  	[sflag:s0] =	ssyncset.done $0x0  }
0x209: {  	s31 =	simm.s32 $0x8;
	[sflag:s0] =	ssyncadd.s32 $0xFFFFEFE0  }
0x20a: {  	s3 =	simm.s32 $0x0;
	[sflag:s31] =	ssyncpa.u1 $0x0  }
.LBB2_47:
0x20b: {  	p1 =	slt.u32 s4, $0x1869F1  }
0x20c: {  	s0 =	sand.u32 @p1 $0x1FFFF8, s4  }
0x20d: {  	s4 =	sand.u32 @p1 $0x7, s4;
	s5 =	simm.s32 @p1 $0xF188;
	s0 =	sadd.s32 @p1 s1, s0  }
0x20e: {  	[tilespmem:s5], [sflag:$0x8] =	stream.linear.gather @p1 [hbm4b:s0+s4], $0x80, $0x38;
	[tilespmem:$0x1F6F8] =	vst v63  }
0x20f: {  	s0 =	simm.s32 @p1 $0x8  }
0x210: {  	_ =	swait.ge @p1 [sflag:s0], $0x80  }
0x211: {  	[sflag:s0] =	ssyncset.done @p1 $0x0  }
0x212: {  	[sflag:s0] =	ssyncadd.s32 @p1 $0xFFFFFF80  }
0x213: {  	v1 =	vld @p1 [tilespmem:$0xF188];
	_ =	sdelay $0x2  }
0x214: {  	s0 =	sshll.u32 @p1 s3, $0x9  }
0x215: {  	s4 =	sshrl.u32 @p1 s0, $0x2  }
0x216: {  	[tilespmem:s4+$0xF238] =	vst.add.f32.msk @p1 $0xffff, v1  }
0x217: {  	v1 =	vld @p1 [tilespmem:$0xF198];
	_ =	sdelay $0x4  }
0x218: {  	[tilespmem:s4+$0xF248] =	vst.add.f32.msk @p1 $0xffff, v1  }
0x219: {  	v1 =	vld @p1 [tilespmem:$0xF1A8];
	_ =	sdelay $0x4  }
0x21a: {  	[tilespmem:s4+$0xF258] =	vst.add.f32.msk @p1 $0xffff, v1  }
0x21b: {  	v1 =	vld @p1 [tilespmem:$0xF1B8];
	_ =	sdelay $0x4  }
0x21c: {  	[tilespmem:s4+$0xF268] =	vst.add.f32.msk @p1 $0xffff, v1  }
0x21d: {  	v1 =	vld @p1 [tilespmem:$0xF1C8];
	_ =	sdelay $0x4  }
0x21e: {  	[tilespmem:s4+$0xF278] =	vst.add.f32.msk @p1 $0xffff, v1  }
0x21f: {  	v1 =	vld @p1 [tilespmem:$0xF1D8];
	_ =	sdelay $0x4  }
0x220: {  	[tilespmem:s4+$0xF288] =	vst.add.f32.msk @p1 $0xffff, v1  }
0x221: {  	v1 =	vld @p1 [tilespmem:$0xF1E8];
	_ =	sdelay $0x4  }
0x222: {  	[tilespmem:s4+$0xF298] =	vst.add.f32.msk @p1 $0xffff, v1  }
0x223: {  	v1 =	vld @p1 [tilespmem:$0xF1F8];
	_ =	sdelay $0x3  }
0x224: {  	s5 =	sshll.u32 @!p1 s3, $0x9  }
0x225: {  	s5 =	smov.u32 @p1 s0;
	[tilespmem:s4+$0xF2A8] =	vst.add.f32.msk @p1 $0xffff, v1  }
0x226: {  	s0 =	sshrl.u32 s5, $0x2;
	[tilespmem:s2+$0xF218] =	vst.msk $0x1, v0  }
0x227: {  	v0 =	vld [tilespmem:s0+$0xF238];
	_ =	sdelay $0x2  }
0x228: {  	s31 =	sshll.u32 s2, $0x9  }
0x229: {  	s4 =	sshra.s32 s31, $0x2  }
0x22a: {  	[tilespmem:s4+$0xF238] =	vst v0  }
0x22b: {  	v0 =	vld [tilespmem:s0+$0xF248];
	_ =	sdelay $0x4  }
0x22c: {  	[tilespmem:s4+$0xF248] =	vst v0  }
0x22d: {  	v0 =	vld [tilespmem:s0+$0xF258];
	_ =	sdelay $0x4  }
0x22e: {  	[tilespmem:s4+$0xF258] =	vst v0  }
0x22f: {  	v0 =	vld [tilespmem:s0+$0xF268];
	_ =	sdelay $0x4  }
0x230: {  	[tilespmem:s4+$0xF268] =	vst v0  }
0x231: {  	v0 =	vld [tilespmem:s0+$0xF278];
	_ =	sdelay $0x4  }
0x232: {  	[tilespmem:s4+$0xF278] =	vst v0  }
0x233: {  	v0 =	vld [tilespmem:s0+$0xF288];
	_ =	sdelay $0x4  }
0x234: {  	[tilespmem:s4+$0xF288] =	vst v0  }
0x235: {  	v0 =	vld [tilespmem:s0+$0xF298];
	_ =	sdelay $0x4  }
0x236: {  	[tilespmem:s4+$0xF298] =	vst v0  }
0x237: {  	v0 =	vld [tilespmem:s0+$0xF2A8];
	_ =	sdelay $0x4  }
0x238: {  	s2 =	sadd.s32 $0x1, s2;
	[tilespmem:s4+$0xF2A8] =	vst v0  }
.LBB2_48:
0x239: {  	s3 =	sadd.s32 $0x1, s3  }
0x23a: {  	p1 =	sne.s32 s3, $0x20  }
.Ltmp32:
0x23b: {  	_ = 	snop;
	(pc) =	sbr.rel @!p1 .LBB2_49-.Ltmp32, $1  }
0x23c: {  	_ =	sdelay $0x3  }
.LBB2_41:
0x23d: {  	v0 =	vld.msk [tilespmem:s3+$0xF218], $0x1;
	_ =	sdelay $0x4  }
0x23e: {  	(v2sf) =	vpush v0, $0x0;
	_ =	sdelay $0xe  }
0x23f: {  	s4 =	spop (v2sf)  }
0x240: {  	p1 =	seq.s32 s4, $0xFFFFFFFF  }
.Ltmp33:
0x241: {  	_ = 	snop;
	(pc) =	sbr.rel @p1 .LBB2_48-.Ltmp33, $1  }
0x242: {  	_ =	sdelay $0x3  }
0x243: {  	p1 =	slt.s32 s2, $0x1  }
.Ltmp34:
0x244: {  	_ = 	snop;
	(pc) =	sbr.rel @p1 .LBB2_47-.Ltmp34, $1  }
0x245: {  	_ =	sdelay $0x3  }
0x246: {  	s5 =	simm.s32 $0xF218;
	p1 =	por $0x0, $0x0  }
0x247: {  	v1 =	vld.msk @!p1 [tilespmem:s5+$0x0], $0x1;
	_ =	sdelay $0x4  }
0x248: {  	(v2sf) =	vpush @!p1 v1, $0x0;
	_ =	sdelay $0xd  }
0x249: {  	p3 =	sne.s32 s2, $0x1  }
.Ltmp35:
0x24a: {  	s0 =	spop @!p1 (v2sf);
	(pc) =	sbr.rel @!p3 .LBB2_45-.Ltmp35, $4  }
0x24b: {  	p2 =	seq.s32 @!p1 s4, s0  }
0x24c: {  	s6 =	simm.s32 $0x0;
	p2 =	por !p2, p1  }
0x24d: {  	s7 =	simm.s32 $0xFFFFFFFF;
	s6 =	simm.s32 @p2 $0xFFFFFFFF  }
0x24e: {  	s0 =	simm.s32 $0x1;
	s6 =	smov.u32 @p1 s7  }
.LBB2_44:
0x24f: {  	s7 =	smov.u32 s6;
	p1 =	sne.s32 s6, $0xFFFFFFFF  }
0x250: {  	s5 =	sadd.s32 $0x1, s5;
	s6 =	smov.u32 s0;
	s0 =	sadd.s32 $0x1, s0  }
0x251: {  	p2 =	sne.s32 s2, s0;
	v1 =	vld.msk @!p1 [tilespmem:s5+$0x0], $0x1;
	_ =	sdelay $0x4  }
0x252: {  	(v2sf) =	vpush @!p1 v1, $0x0;
	_ =	sdelay $0xe  }
.Ltmp36:
0x253: {  	s8 =	spop @!p1 (v2sf);
	(pc) =	sbr.rel @p2 .LBB2_44-.Ltmp36, $4  }
0x254: {  	p3 =	seq.s32 @!p1 s4, s8  }
0x255: {  	p3 =	por !p3, p1  }
0x256: {  	s6 =	simm.s32 @p3 $0xFFFFFFFF  }
0x257: {  	s6 =	smov.u32 @p1 s7  }
.LBB2_45:
0x258: {  	p1 =	seq.s32 s6, $0xFFFFFFFF  }
.Ltmp37:
0x259: {  	_ = 	snop;
	(pc) =	sbr.rel @p1 .LBB2_47-.Ltmp37, $1  }
0x25a: {  	_ =	sdelay $0x3  }
0x25b: {  	s0 =	sshll.u32 s3, $0x7  }
0x25c: {  	s0 =	sand.u32 $0x3FFFFF80, s0  }
0x25d: {  	v0 =	vld [tilespmem:s0+$0xF238];
	_ =	sdelay $0x2  }
0x25e: {  	s4 =	sshll.u32 s6, $0x9  }
0x25f: {  	s4 =	sshra.s32 s4, $0x2  }
0x260: {  	[tilespmem:s4+$0xF238] =	vst.add.f32.msk $0xffff, v0  }
0x261: {  	v0 =	vld [tilespmem:s0+$0xF248];
	_ =	sdelay $0x4  }
0x262: {  	[tilespmem:s4+$0xF248] =	vst.add.f32.msk $0xffff, v0  }
0x263: {  	v0 =	vld [tilespmem:s0+$0xF258];
	_ =	sdelay $0x4  }
0x264: {  	[tilespmem:s4+$0xF258] =	vst.add.f32.msk $0xffff, v0  }
0x265: {  	v0 =	vld [tilespmem:s0+$0xF268];
	_ =	sdelay $0x4  }
0x266: {  	[tilespmem:s4+$0xF268] =	vst.add.f32.msk $0xffff, v0  }
0x267: {  	v0 =	vld [tilespmem:s0+$0xF278];
	_ =	sdelay $0x4  }
0x268: {  	[tilespmem:s4+$0xF278] =	vst.add.f32.msk $0xffff, v0  }
0x269: {  	v0 =	vld [tilespmem:s0+$0xF288];
	_ =	sdelay $0x4  }
0x26a: {  	[tilespmem:s4+$0xF288] =	vst.add.f32.msk $0xffff, v0  }
0x26b: {  	v0 =	vld [tilespmem:s0+$0xF298];
	_ =	sdelay $0x4  }
0x26c: {  	[tilespmem:s4+$0xF298] =	vst.add.f32.msk $0xffff, v0  }
0x26d: {  	v0 =	vld [tilespmem:s0+$0xF2A8]  }
.Ltmp38:
0x26e: {  	_ = 	snop;
	(pc) =	sbr.rel .LBB2_48-.Ltmp38, $2  }
0x26f: {  	_ =	sdelay $0x2  }
0x270: {  	[tilespmem:s4+$0xF2A8] =	vst.add.f32.msk $0xffff, v0  }
.LBB2_49:
0x271: {  	p1 =	slt.s32 s2, $0x1  }
.Ltmp39:
0x272: {  	_ = 	snop;
	(pc) =	sbr.rel @p1 .LBB2_53-.Ltmp39, $3  }
0x273: {  	_ =	sdelay $0x1  }
0x274: {  	s0 =	simm.s32 $0x8  }
0x275: {  	s3 =	simm.s32 $0x0;
	[sflag:s0] =	ssyncpa.u1 $0x1  }
0x276: {  	s0 =	simm.s32 $0xF218  }
0x277: {  	v0 =	vld.msk [tilespmem:s0+$0x0], $0x1;
	_ =	sdelay $0x4  }
0x278: {  	(v2sf) =	vpush v0, $0x0;
	_ =	sdelay $0xe  }
0x279: {  	s0 =	sadd.s32 $0xFFFFFFFF, s2;
	s5 =	spop (v2sf)  }
0x27a: {  	p2 =	sne.s32 s0, $0x0;
	p1 =	sgt.u32 s5, $0x1869F0  }
.Ltmp40:
0x27b: {  	s6 =	sand.u32 @!p1 $0x1FFFF8, s5;
	(pc) =	sbr.rel @!p2 .LBB2_52-.Ltmp40, $4  }
0x27c: {  	s4 =	simm.s32 $0xF238;
	s5 =	sand.u32 @!p1 $0x7, s5;
	s2 =	sadd.s32 @!p1 s1, s6  }
0x27d: {  	[hbm4b:s2+s5] =	stream.linear.scatter @!p1 [tilespmem:s4], [sflag:$0x7], $0x80, $0x38;
	[tilespmem:$0x1F6F8] =	vst v63  }
0x27e: {  	s5 =	simm.s32 $0x0  }
0x27f: {  	s2 =	simm.s32 $0xF219;
	s5 =	simm.s32 @!p1 $0x200  }
.LBB2_51:
0x280: {  	v0 =	vld.msk [tilespmem:s2+$0x0], $0x1;
	s0 =	sadd.s32 $0xFFFFFFFF, s0;
	s3 =	sadd.s32 s3, s5  }
0x281: {  	p1 =	sne.s32 s0, $0x0;
	_ =	sdelay $0x3  }
0x282: {  	(v2sf) =	vpush v0, $0x0;
	_ =	sdelay $0xe  }
.Ltmp41:
0x283: {  	s6 =	spop (v2sf);
	(pc) =	sbr.rel @p1 .LBB2_51-.Ltmp41, $4  }
0x284: {  	s5 =	simm.s32 $0x0;
	p2 =	sgt.u32 s6, $0x1869F0  }
0x285: {  	s4 =	sadd.s32 $0x80, s4;
	s5 =	simm.s32 @!p2 $0x200;
	s7 =	sand.u32 @!p2 $0x1FFFF8, s6  }
0x286: {  	s2 =	sadd.s32 $0x1, s2;
	s6 =	sand.u32 @!p2 $0x7, s6;
	s7 =	sadd.s32 @!p2 s1, s7  }
0x287: {  	[hbm4b:s7+s6] =	stream.linear.scatter @!p2 [tilespmem:s4], [sflag:$0x7], $0x80, $0x38;
	[tilespmem:$0x1F6F8] =	vst v63  }
.LBB2_52:
0x288: {  	s0 =	sadd.s32 s3, s5  }
0x289: {  	s3 =	sshrl.u32 s0, $0x2  }
.LBB2_53:
0x28a: {  	s0 =	simm.s32 $0x7  }
0x28b: {  	_ =	swait.ge [sflag:s0], s3  }
0x28c: {  	s1 =	ssub.s32 $0x0, s3;
	[sflag:s0] =	ssyncset.done $0x0  }
0x28d: {  	[sflag:s0] =	ssyncadd.s32 s1  }
0x28e: {  	[sflag:s0] =	ssyncpa.u1 $0x1  }
.LBB2_54:
0x28f: {  	_ =	sfence;
	s0 =	simm.s32 $0x1  }
0x290: {  	[sflag:s0] =	ssyncpa.u1 $0x1  }
0x291: {  	_ =	strace $0x9000004D  }
0x292: {  	[bflag:$0x2] =	sbarrier.arrive $0xFFFF  }
0x293: {  	s0 =	rddreg [dreg:$0x4]  }
0x294: {  	s0 =	sadd.s32 @!p0 $0x100000, s0  }
0x295: {  	[sflag:s0] =	ssyncadd.tile.s32 @!p0 $0x1;
	_ =	shalt  }
.Lfunc_end2:
_tile_overlayer_lowered:
.L_overlay_start_2:
0x296: {  	(tag) =	ssettag $0x2  }
0x297: {  	s0 =	rddreg [dreg:$0x0];
	s2 =	stileid.u32  }
0x298: {  	s1 =	rddreg [dreg:$0x1];
	p0 =	sne.s32 s2, $0x0  }
0x299: {  	s3 =	rddreg [dreg:$0x2];
	[bflag:$0x3] =	sbarrier.arrive $0xFFFF;
	s2 =	simm.s32 @!p0 $0x1C01  }
0x29a: {  	[timem:s3], [sflag:s2] =	dma.local @!p0 [hbm:s0], s1  }
0x29b: {  	s0 =	simm.s32 @!p0 $0x1  }
0x29c: {  	_ =	swait.ge @!p0 [sflag:s0], s1  }
0x29d: {  	s1 =	ssub.s32 @!p0 $0x0, s1;
	[sflag:s0] =	ssyncset.done @!p0 $0x0  }
0x29e: {  	[sflag:s0] =	ssyncadd.s32 @!p0 s1  }
0x29f: {  	[bflag:$0x3] =	sbarrier.arrive $0xFFFF  }
0x2a0: {  	_ =	shalt  }

// kernel: scatter_offload_async_start
scs
__scs_entry_jumppad:
0x0: {  	(pc) =	sbr.rel $0x88, $3  }
0x1: {  	(tag) =	ssettag $0x0;
	lr =	simm.s32 $0x1  }
0x2: {  	[smem:$0x3F9B] =	sst lr;
	_ =	strace $0xD0000000  }
0x3: {  	_ = 	snop  }
0x4: {  	_ = 	snop  }
0x5: {  	_ = 	snop  }
0x6: {  	_ = 	snop  }
0x7: {  	_ = 	snop  }
__scs_overlays_trampoline_lowered:
0x8: {  	[smem:$0x3FAA] =	sst s0  }
0x9: {  	[smem:$0x3FAB] =	sst s1  }
0xa: {  	[smem:$0x3FAC] =	sst s2  }
0xb: {  	[smem:$0x3FAD] =	sst s3  }
0xc: {  	[smem:$0x3FAE] =	sst s4  }
0xd: {  	[smem:$0x3FAF] =	sst s5  }
0xe: {  	[smem:$0x3FB0] =	sst s6  }
0xf: {  	[smem:$0x3FB1] =	sst s7  }
0x10: {  	[smem:$0x3FB2] =	sst s8  }
0x11: {  	[smem:$0x3FB3] =	sst s9;
	s0 =	simm.s32 @!p0 $0x0  }
0x12: {  	s1 =	sld [smem:$0x3F99];
	s0 =	simm.s32 @p0 $0x1  }
0x13: {  	[smem:$0x3FB4] =	sst s0;
	s0 =	simm.s32 @!p1 $0x0  }
0x14: {  	s2 =	sld [smem:$0x3F98];
	s0 =	simm.s32 @p1 $0x1  }
0x15: {  	[smem:$0x3FB5] =	sst s0;
	s0 =	simm.s32 @!p2 $0x0  }
0x16: {  	s3 =	sld [smem:$0x3FDB];
	s0 =	simm.s32 @p2 $0x1  }
0x17: {  	s4 =	simm.s32 $0x1BF5;
	[smem:$0x3FB7] =	sst s0  }
0x18: {  	s0 =	sld [smem:$0x3F9A];
	_ =	swait.ge [sflag:s4], $0x0  }
0x19: {  	s7 =	sld [smem:$0x3F9B]  }
0x1a: {  	s8 =	sadd.s32 $0xFFFFE003, lr  }
0x1b: {  	s9 =	sadd.s32 $0xFFFFFEF7, lr;
	s5 =	simm.s32 $0xFFFFFFFF;
	p2 =	slt.u32 s8, $0xFFFFF086  }
0x1c: {  	p1 =	slt.u32 s9, $0xF7A;
	s5 =	simm.s32 @!p2 $0x0  }
0x1d: {  	s5 =	simm.s32 @p1 $0x1;
	p0 =	seq.s32 s7, s2  }
0x1e: {  	s7 =	smul.u32 @!p0 $0xF7A, s2;
	p2 =	seq.s32 @!p0 s5, $0x0  }
0x1f: {  	s9 =	smul.u32 $0xF7A, s1;
	s8 =	simm.s32 @!p0 $0x1BF5;
	p2 =	por !p2, p0  }
0x20: {  	[sflag:s8] =	ssyncset.s32 @!p0 $0xFFFFF086;
	s6 =	sadd.s32 @!p0 s3, s7;
	s7 =	simm.s32 @!p0 $0x108  }
0x21: {  	s3 =	sadd.s32 s3, s9;
	s6 =	sadd.s32 @!p0 $0x88, s6;
	s7 =	simm.s32 @p2 $0x1082  }
0x22: {  	[simem:s7], [sflag:s8] =	dma.local @!p0 [hbm:s6], $0xF7A  }
0x23: {  	s9 =	sor.u32 $0xD0000000, s2;
	s6 =	simm.s32 $0x108;
	_ =	swait.ge @!p0 [sflag:s8], $0x0  }
0x24: {  	s3 =	sadd.s32 $0x88, s3;
	s6 =	simm.s32 @!p1 $0x1082;
	[sflag:s4] =	ssyncset.s32 $0xFFFFF086  }
0x25: {  	[simem:s6], [sflag:s4] =	dma.local [hbm:s3], $0xF7A  }
0x26: {  	[smem:$0x3F9B] =	sst s1;
	(tag) =	ssettag s2;
	_ =	strace s9  }
0x27: {  	s1 =	sld [smem:$0x3FAB]  }
0x28: {  	s2 =	sld [smem:$0x3FAC]  }
0x29: {  	s4 =	sld [smem:$0x3FAE]  }
0x2a: {  	p0 =	seq.s32 s5, $0x0;
	s5 =	sld [smem:$0x3FAF]  }
0x2b: {  	s6 =	sld [smem:$0x3FB0]  }
0x2c: {  	s7 =	sld [smem:$0x3FB1]  }
0x2d: {  	s3 =	simm.s32 $0x108;
	s8 =	sld [smem:$0x3FB2]  }
0x2e: {  	s3 =	simm.s32 @!p0 $0x1082;
	s9 =	sld [smem:$0x3FB3]  }
0x2f: {  	lr =	sadd.s32 s0, s3;
	s0 =	sld [smem:$0x3FAA]  }
0x30: {  	s3 =	sld [smem:$0x3FAD]  }
0x31: {  	[smem:$0x3FB6] =	sst s10  }
0x32: {  	s10 =	sld [smem:$0x3FB4];
	_ =	sdelay $0x3  }
0x33: {  	p0 =	seq.s32 s10, $0x1;
	s10 =	sld [smem:$0x3FB6];
	_ =	sdelay $0x3  }
0x34: {  	[smem:$0x3FB6] =	sst s10  }
0x35: {  	s10 =	sld [smem:$0x3FB5];
	_ =	sdelay $0x3  }
0x36: {  	p1 =	seq.s32 s10, $0x1;
	s10 =	sld [smem:$0x3FB6];
	_ =	sdelay $0x3  }
0x37: {  	[smem:$0x3FB6] =	sst s10  }
0x38: {  	s10 =	sld [smem:$0x3FB7]  }
0x39: {  	_ = 	snop;
	(pc) =	sbr.ind lr, $3  }
0x3a: {  	_ = 	snop  }
0x3b: {  	_ = 	snop  }
0x3c: {  	p2 =	seq.s32 s10, $0x1;
	s10 =	sld [smem:$0x3FB6]  }
0x3d: {  	_ =	shalt  }
0x3e: {  	_ =	shalt  }
0x3f: {  	_ =	shalt  }
0x40: {  	_ =	shalt  }
0x41: {  	_ =	shalt  }
0x42: {  	_ =	shalt  }
0x43: {  	_ =	shalt  }
0x44: {  	_ =	shalt  }
0x45: {  	_ =	shalt  }
0x46: {  	_ =	shalt  }
0x47: {  	_ =	shalt  }
0x48: {  	_ =	shalt  }
0x49: {  	_ =	shalt  }
0x4a: {  	_ =	shalt  }
0x4b: {  	_ =	shalt  }
0x4c: {  	_ =	shalt  }
0x4d: {  	_ =	shalt  }
0x4e: {  	_ =	shalt  }
0x4f: {  	_ =	shalt  }
0x50: {  	_ =	shalt  }
0x51: {  	_ =	shalt  }
0x52: {  	_ =	shalt  }
0x53: {  	_ =	shalt  }
0x54: {  	_ =	shalt  }
0x55: {  	_ =	shalt  }
0x56: {  	_ =	shalt  }
0x57: {  	_ =	shalt  }
0x58: {  	_ =	shalt  }
0x59: {  	_ =	shalt  }
0x5a: {  	_ =	shalt  }
0x5b: {  	_ =	shalt  }
0x5c: {  	_ =	shalt  }
0x5d: {  	_ =	shalt  }
0x5e: {  	_ =	shalt  }
0x5f: {  	_ =	shalt  }
0x60: {  	_ =	shalt  }
0x61: {  	_ =	shalt  }
0x62: {  	_ =	shalt  }
0x63: {  	_ =	shalt  }
0x64: {  	_ =	shalt  }
0x65: {  	_ =	shalt  }
0x66: {  	_ =	shalt  }
0x67: {  	_ =	shalt  }
0x68: {  	_ =	shalt  }
0x69: {  	_ =	shalt  }
0x6a: {  	_ =	shalt  }
0x6b: {  	_ =	shalt  }
0x6c: {  	_ =	shalt  }
0x6d: {  	_ =	shalt  }
0x6e: {  	_ =	shalt  }
0x6f: {  	_ =	shalt  }
0x70: {  	_ =	shalt  }
0x71: {  	_ =	shalt  }
0x72: {  	_ =	shalt  }
0x73: {  	_ =	shalt  }
0x74: {  	_ =	shalt  }
0x75: {  	_ =	shalt  }
0x76: {  	_ =	shalt  }
0x77: {  	_ =	shalt  }
0x78: {  	_ =	shalt  }
0x79: {  	_ =	shalt  }
0x7a: {  	_ =	shalt  }
0x7b: {  	_ =	shalt  }
0x7c: {  	_ =	shalt  }
0x7d: {  	_ =	shalt  }
0x7e: {  	_ =	shalt  }
0x7f: {  	_ =	shalt  }
0x80: {  	_ =	shalt  }
0x81: {  	_ =	shalt  }
0x82: {  	_ =	shalt  }
0x83: {  	_ =	shalt  }
0x84: {  	_ =	shalt  }
0x85: {  	_ =	shalt  }
0x86: {  	_ =	shalt  }
0x87: {  	_ =	shalt  }
.Lfunc_end0:
.L_simem_size_0:
called_computation_lowered:
.L_overlay_start_0:
0x88: {  	s0 =	sld [smem:$0x3FD9]  }
0x89: {  	s1 =	sld [smem:$0x3FFE];
	_ =	sdelay $0x3  }
0x8a: {  	s0 =	sadd.s32 s1, s0  }
0x8b: {  	[smem:$0x3FC2] =	sst s0  }
0x8c: {  	_ = 	snop  }
0x8d: {  	s0 =	sld [smem:$0x3FD0];
	_ =	sdelay $0x2  }
0x8e: {  	s13 =	simm.s32 $0xA;
	s2 =	simm.s32 $0x10  }
0x8f: {  	[smem:s2], [sflag:s13] =	dma.local [hbm:s0], $0x1  }
0x90: {  	_ =	swait.eq [sflag:s13], $0x1  }
0x91: {  	[sflag:s13] =	ssyncset.done $0x0  }
0x92: {  	s14 =	sld [smem:$0x11];
	[sflag:s13] =	ssyncadd.s32 $0xFFFFFFFF  }
0x93: {  	s15 =	sld [smem:$0x12];
	(tm) =	ssettm $0x1  }
0x94: {  	s16 =	sld [smem:$0x3FFB];
	_ =	sdelay $0x3  }
0x95: {  	_ =	strace s16  }
0x96: {  	s2 =	sld [smem:$0x3FFC];
	_ =	sdelay $0x3  }
0x97: {  	_ =	strace s2  }
0x98: {  	s2 =	sld [smem:$0x3FFD];
	_ =	sdelay $0x3  }
0x99: {  	_ =	strace s2  }
0x9a: {  	_ =	strace $0x8FFFFFFF  }
0x9b: {  	s17 =	sld [smem:$0x3FDB];
	_ =	sdelay $0x1  }
0x9c: {  	s3 =	simm.s32 $_scs_section_size  }
0x9d: {  	s4 =	simm.s32 $_size__tile_overlayer_lowered;
	s5 =	simm.s32 $_tile_overlayer_lowered  }
0x9e: {  	s20 =	simm.s32 $0x1BFF;
	s19 =	sshll.u32 s5, $0x1;
	s2 =	sadd.s32 s3, s17  }
0x9f: {  	s6 =	simm.s32 $0x0;
	s18 =	sshll.u32 s4, $0x1;
	s4 =	sadd.s32 s19, s2  }
0xa0: {  	[timem:s6], [sflag:s20] =	dma.local [hbm:s4], s18  }
0xa1: {  	_ =	swait.ge [sflag:s20], s18  }
0xa2: {  	s3 =	ssub.s32 $0x0, s18;
	[sflag:s20] =	ssyncset.done $0x0  }
0xa3: {  	[sflag:s20] =	ssyncadd.s32 s3;
	_ =	sdelay $0x1  }
0xa4: {  	s21 =	simm.s32 $0x1B8B  }
0xa5: {  	_ =	swait.ge [sflag:s21], $0x1  }
0xa6: {  	[sflag:s21] =	ssyncset.done $0x0  }
0xa7: {  	s23 =	simm.s32 $0x1B8E;
	s22 =	sld [smem:$0x3FFE];
	[sflag:s21] =	ssyncadd.s32 $0xFFFFFFFF  }
0xa8: {  	s24 =	simm.s32 $execute0_lowered;
	[smem:$0x3FD2] =	sst s23  }
0xa9: {  	s4 =	sshll.u32 s24, $0x1;
	_ =	strace $0x80000046;
	[dreg:$0x1] =	wrdreg $0xFFFFFFFF  }
0xaa: {  	s25 =	simm.s32 $_size_execute0_lowered;
	s2 =	sadd.s32 s2, s4;
	[dreg:$0x0] =	wrdreg $0x0  }
0xab: {  	s4 =	sshll.u32 s25, $0x1;
	[dreg:$0x2] =	wrdreg s2  }
0xac: {  	[dreg:$0x3] =	wrdreg s4  }
0xad: {  	[dreg:$0x4] =	wrdreg $0xC0  }
0xae: {  	_ =	task [dreg:s6], $0x5FFFF  }
0xaf: {  	[dreg:$0x1] =	wrdreg $0xFFFFFFFF  }
0xb0: {  	[dreg:$0x0] =	wrdreg $0x60  }
0xb1: {  	[dreg:$0x2] =	wrdreg s22  }
0xb2: {  	[dreg:$0x3] =	wrdreg s14  }
0xb3: {  	[dreg:$0x4] =	wrdreg s15  }
0xb4: {  	[dreg:$0x5] =	wrdreg $0x9  }
0xb5: {  	_ =	task.clear_ibuf [dreg:s6], $0x6FFFF;
	_ =	strace $0x90000046  }
0xb6: {  	s26 =	simm.s32 $0x9;
	_ =	strace $0x80000048  }
0xb7: {  	_ =	swait.ge [sflag:s26], $0x1  }
0xb8: {  	[sflag:s26] =	ssyncadd.s32 $0xFFFFFFFF  }
0xb9: {  	_ =	strace $0x90000048  }
0xba: {  	_ =	sfence  }
0xbb: {  	s28 =	sld [smem:$0x0];
	_ =	sdelay $0x1  }
0xbc: {  	s29 =	srdreg.scid  }
0xbd: {  	s30 =	sshll.u32 s29, $0xD;
	s31 =	sshrl.u32 s29, $0x2  }
0xbe: {  	s1 =	sand.u32 $0x1, s29;
	s2 =	sand.u32 $0x4000, s30;
	s0 =	sadd.s32 s31, s28  }
0xbf: {  	s1 =	sor.u32 s2, s1;
	s0 =	sshll.u32 s0, $0x11  }
0xc0: {  	s0 =	sor.u32 s0, s1  }
0xc1: {  	s0 =	sadd.s32 $0x8F2B, s0  }
0xc2: {  	[sflag:s0] =	ssyncadd.remote.s32 $0x1  }
0xc3: {  	_ =	sfence.sel $0xFFFF  }
0xc4: {  	[dreg:$0x0] =	wrdreg $0xFFFFFFFF;
	(pc) =	sbr.abs _section_cstart, $3  }
0xc5: {  	[dreg:$0x1] =	wrdreg $0xFFFFFFFF  }
0xc6: {  	_ =	task.clear_ibuf [dreg:s6], $0x2FFFF;
	_ =	strace $0x9FFFFFFF  }
0xc7: {  	(tm) =	ssettm $0x7FFFFFFF  }
tec
execute0_lowered:
.L_overlay_start_1:
0x0: {  	(tag) =	ssettag $0x1  }
0x1: {  	s1 =	rddreg [dreg:$0x0]  }
0x2: {  	s2 =	rddreg [dreg:$0x1]  }
0x3: {  	s3 =	rddreg [dreg:$0x2]  }
0x4: {  	s0 =	rddreg [dreg:$0x3]  }
0x5: {  	_ =	strace $0x80000047;
	s5 =	stileid.u32;
	s6 =	simm.s32 $0x3E  }
0x6: {  	s1 =	sadd.s32 $0x6400, s1;
	p0 =	sne.s32 s5, $0x0;
	[sflag:s6] =	ssyncpa.u1 $0x0  }
0x7: {  	s30 =	smin.u32 s5, $0x9;
	s4 =	simm.s32 @!p0 $0x1C3E;
	s7 =	simm.s32 @!p0 $0x0  }
0x8: {  	[spmem:s7], [sflag:s4] =	dma.local @!p0 [hbm:s1], $0x3100  }
0x9: {  	s4 =	sadd.s32 s5, s30  }
0xa: {  	p1 =	slt.u32 s5, $0x9;
	s5 =	simm.s32 $0x1F40;
	s4 =	smul.u32 $0xFA0, s4  }
0xb: {  	s5 =	simm.s32 @!p1 $0xFA0  }
0xc: {  	s5 =	sadd.s32 s5, s4  }
0xd: {  	s5 =	smin.u32 s5, $0x186A0  }
0xe: {  	s8 =	ssub.s32 s5, s4  }
0xf: {  	p1 =	sgt.s32 s8, $0x0  }
0x10: {  	s8 =	simm.s32 @!p1 $0x0  }
0x11: {  	s7 =	simm.s32 @!p0 $0x3E;
	s31 =	smulhi.u32 $0x10624DD3, s8  }
0x12: {  	_ =	swait.ge @!p0 [sflag:s7], $0x3100  }
0x13: {  	[sflag:s7] =	ssyncset.done @!p0 $0x0;
	s9 =	sshrl.u32 s31, $0x8  }
0x14: {  	[sflag:s7] =	ssyncadd.s32 @!p0 $0xFFFFCF00;
	s10 =	smul.u32 $0xFA0, s9  }
.Ltmp0:
0x15: {  	s11 =	simm.s32 $0x0;
	[bflag:$0x0] =	sbarrier.arrive $0xFFFF;
	(pc) =	sbr.rel .LBB2_1-.Ltmp0, $4  }
0x16: {  	s7 =	simm.s32 $0x2;
	[sflag:s6] =	ssyncpa.u1 $0x1;
	s6 =	simm.s32 $0x1  }
0x17: {  	[sflag:s6] =	ssyncpa.u1 $0x0;
	p1 =	sne.s32 s8, s10;
	s8 =	simm.s32 $0x1  }
0x18: {  	(ifvalue) =	ssetifvalue $0x18800;
	[sflag:s7] =	ssyncpa.u1 $0x0;
	s8 =	simm.s32 @!p1 $0x0  }
0x19: {  	vm0 =	vmmov $0xffff;
	s10 =	smov.u32 s4;
	s8 =	sadd.s32 s8, s9;
	s9 =	simm.s32 $0x0  }
.LBB2_5:
0x1a: {  	p2 =	sne.s32 s11, s8  }
.Ltmp1:
0x1b: {  	_ = 	snop;
	(pc) =	sbr.rel @!p2 .LBB2_6-.Ltmp1, $4  }
0x1c: {  	_ = 	snop  }
0x1d: {  	s12 =	sadd.s32 $0xFA0, s10  }
0x1e: {  	s10 =	smov.u32 s4;
	s13 =	sadd.s32 $0x1, s11;
	p1 =	slt.s32 s12, s5  }
0x1f: {  	s11 =	smov.u32 s13;
	s10 =	smov.u32 @p1 s12  }
.LBB2_1:
0x20: {  	p1 =	sge.u32 s11, s8  }
0x21: {  	s12 =	sxor.u32 @!p1 $0xFFFFFFFF, s11  }
0x22: {  	s12 =	sand.u32 @!p1 $0x1, s12  }
0x23: {  	s12 =	smul.u32 @!p1 $0xFA0, s12  }
0x24: {  	s13 =	sshrl.u32 @!p1 s10, $0x3  }
0x25: {  	s16 =	sand.u32 @!p1 $0x7, s10;
	s14 =	sadd.s32 @!p1 s2, s13;
	s15 =	sadd.s32 @!p1 $0x1880, s12  }
0x26: {  	[tilespmem:s15], [sflag:$0x2] =	stream.linear.gather @!p1 [hbm4b:s14+s16], $0xFA0, $0x38;
	[tilespmem:$0x5700] =	vst v63  }
0x27: {  	s13 =	sadd.s32 @!p1 s3, s13;
	s12 =	sadd.s32 @!p1 $0x37C0, s12  }
0x28: {  	[tilespmem:s12], [sflag:$0x2] =	stream.linear.gather @!p1 [hbm4b:s13+s16], $0xFA0, $0x38;
	[tilespmem:$0x5700] =	vst v63  }
0x29: {  	p1 =	seq.s32 s11, $0x0  }
.Ltmp2:
0x2a: {  	_ = 	snop;
	(pc) =	sbr.rel @p1 .LBB2_5-.Ltmp2, $1  }
0x2b: {  	_ =	sdelay $0x3  }
0x2c: {  	s12 =	sand.u32 $0x1, s11  }
0x2d: {  	_ =	swait.ge [sflag:s7], $0x1F40;
	p1 =	seq.s32 s12, $0x1;
	s12 =	simm.s32 $0xFA0  }
0x2e: {  	[sflag:s7] =	ssyncset.done $0x0;
	s12 =	simm.s32 @!p1 $0x0  }
0x2f: {  	[sflag:s7] =	ssyncadd.s32 $0xFFFFE0C0;
	s14 =	sadd.s32 $0x1880, s12  }
0x30: {  	v0 =	vld.msk [tilespmem:s14+$0x0 ss:$0x1], $0xffff;
	_ =	sdelay $0x4  }
0x31: {  	v0 =	vmin.u32 v0, $0x18800;
	_ =	sdelay $0x3  }
0x32: {  	s13 =	simm.s32 $0x0;
	s12 =	sadd.s32 $0x37C0, s12;
	s14 =	sadd.s32 $0x10, s14  }
0x33: {  	[spmem:s9] =	stream.indirect_vreg.scatter.add.s32 [tilespmem:s12], [sflag:$0x1], $0x1, v0, vm0, $0x4038;
	[tilespmem:$0x5700] =	vst v63  }
.LBB2_3:
0x34: {  	v0 =	vld.msk [tilespmem:s14+$0x0 ss:$0x1], $0xffff;
	s13 =	sadd.s32 $0x10, s13  }
0x35: {  	p1 =	slt.u32 s13, $0xF90;
	_ =	sdelay $0x4  }
0x36: {  	v0 =	vmin.u32 v0, $0x18800  }
.Ltmp3:
0x37: {  	(pc) =	sbr.rel @p1 .LBB2_3-.Ltmp3, $3  }
0x38: {  	_ =	sdelay $0x1  }
0x39: {  	s14 =	sadd.s32 $0x10, s14;
	s12 =	sadd.s32 $0x10, s12  }
0x3a: {  	[spmem:s9] =	stream.indirect_vreg.scatter.add.s32 [tilespmem:s12], [sflag:$0x1], $0x1, v0, vm0, $0x4038;
	[tilespmem:$0x5700] =	vst v63  }
.Ltmp4:
0x3b: {  	(pc) =	sbr.rel .LBB2_5-.Ltmp4, $4  }
0x3c: {  	_ = 	snop  }
0x3d: {  	_ =	swait.ge [sflag:s6], $0xFA0  }
0x3e: {  	[sflag:s6] =	ssyncset.done $0x0  }
0x3f: {  	[sflag:s6] =	ssyncadd.s32 $0xFFFFF060  }
.LBB2_6:
0x40: {  	_ =	sfence.sel $0x180000  }
0x41: {  	s2 =	simm.s32 $0x2;
	[bflag:$0x0] =	sbarrier.arrive $0xFFFF  }
0x42: {  	s30 =	simm.s32 $0x1;
	[sflag:s2] =	ssyncpa.u1 $0x1  }
0x43: {  	[sflag:s30] =	ssyncpa.u1 $0x1  }
0x44: {  	_ =	sfence.stream.spmem  }
0x45: {  	s31 =	simm.s32 $0x3D;
	[bflag:$0x0] =	sbarrier.arrive $0xFFFF  }
0x46: {  	s2 =	simm.s32 @p0 $0x3D;
	[sflag:s31] =	ssyncpa.u1 $0x0  }
0x47: {  	[sflag:s2] =	ssyncpa.u1 @p0 $0x1  }
0x48: {  	[bflag:$0x0] =	sbarrier.arrive @p0 $0xFFFF  }
0x49: {  	_ =	strace @p0 $0x90000047  }
0x4a: {  	s3 =	simm.s32 @!p0 $0x1C3D;
	s2 =	simm.s32 @!p0 $0x0;
	[bflag:$0x2] =	sbarrier.arrive @p0 $0xFFFF  }
0x4b: {  	[hbm:s1], [sflag:s3] =	dma.local @!p0 [spmem:s2], $0x3100  }
0x4c: {  	s1 =	simm.s32 @!p0 $0x3D  }
0x4d: {  	_ =	swait.ge @!p0 [sflag:s1], $0x3100  }
0x4e: {  	[sflag:s1] =	ssyncset.done @!p0 $0x0  }
0x4f: {  	[sflag:s1] =	ssyncadd.s32 @!p0 $0xFFFFCF00  }
0x50: {  	[sflag:s1] =	ssyncpa.u1 @!p0 $0x1  }
0x51: {  	[bflag:$0x0] =	sbarrier.arrive @!p0 $0xFFFF  }
0x52: {  	_ =	strace @!p0 $0x90000047  }
0x53: {  	s0 =	sadd.s32 @!p0 $0x100000, s0;
	[bflag:$0x2] =	sbarrier.arrive @!p0 $0xFFFF  }
0x54: {  	[sflag:s0] =	ssyncadd.tile.s32 @!p0 $0x1;
	_ =	shalt  }
.Lfunc_end2:
_tile_overlayer_lowered:
.L_overlay_start_2:
0x55: {  	(tag) =	ssettag $0x2  }
0x56: {  	s0 =	rddreg [dreg:$0x0];
	s2 =	stileid.u32  }
0x57: {  	s1 =	rddreg [dreg:$0x1];
	p0 =	sne.s32 s2, $0x0  }
0x58: {  	s3 =	rddreg [dreg:$0x2];
	[bflag:$0x3] =	sbarrier.arrive $0xFFFF;
	s2 =	simm.s32 @!p0 $0x1C01  }
0x59: {  	[timem:s3], [sflag:s2] =	dma.local @!p0 [hbm:s0], s1  }
0x5a: {  	s0 =	simm.s32 @!p0 $0x1  }
0x5b: {  	_ =	swait.ge @!p0 [sflag:s0], s1  }
0x5c: {  	s1 =	ssub.s32 @!p0 $0x0, s1;
	[sflag:s0] =	ssyncset.done @!p0 $0x0  }
0x5d: {  	[sflag:s0] =	ssyncadd.s32 @!p0 s1  }
0x5e: {  	[bflag:$0x3] =	sbarrier.arrive $0xFFFF  }
0x5f: {  	_ =	shalt  }

</sc_bundles>
